<compile_context>
chip_gen: v7x
topology: tpu7x:2x2x1
jax: 0.10.2.dev20260603
libtpu: 0.0.44.dev20260713+nightly
codegen_flags: <defaults>
</compile_context>

<pallas_src>
import functools

import jax
import jax.numpy as jnp
import numpy as np
from jax import lax
from jax.experimental import pallas as pl
from jax.experimental.pallas import tpu as pltpu
from jax.experimental.pallas import tpu_sc as plsc

L = 16
NS = 16
ROWS = 16384
D = 128
RPT = ROWS // NS
NG = RPT // L
C = 32
NCB = 4
NBUF = C * NCB
NF = D // L
PB = D + L

_NOISE_VALUES = [
    -0.02830461598932743, 0.4671318531036377, 0.2957029640674591, 0.15354591608047485, -0.12403281778097153, 0.21692314743995667, -1.440878987312317, 0.755859911441803,
    0.5214096307754517, 0.9101703763008118, -0.3844965994358063, 1.139823317527771, 1.4457862377166748, 1.080906629562378, -0.05629321187734604, 0.9095944762229919,
    0.5573461651802063, 0.21905718743801117, -1.4485087394714355, 0.7641875147819519, -0.24154697358608246, -1.179381012916565, -1.9389183521270752, 0.3562646210193634,
    -0.24111966788768768, 1.2151274681091309, -1.3952220678329468, -0.5347688794136047, 0.27067556977272034, 1.5401241779327393, 0.6935186386108398, -0.1038767620921135,
    -0.5023069977760315, 0.6771835088729858, 0.11085006594657898, -0.3477494716644287, 0.45490285754203796, 0.22783830761909485, -0.5570452213287354, -0.8830111026763916,
    -0.21350063383579254, 0.3080112934112549, -0.18721903860569, 0.09363541752099991, 0.3738812208175659, -1.057212471961975, 0.4466709792613983, 1.2107949256896973,
    0.4338840842247009, -0.7037684321403503, 0.17639288306236267, -0.19870367646217346, -0.2181064784526825, 1.2852516174316406, 0.37535151839256287, -0.1780770868062973,
    -0.2397909313440323, -0.4098151624202728, 0.3671177625656128, 1.187896490097046, -1.0384923219680786, -0.7943069338798523, 1.0585581064224243, -0.3621484637260437,
    -0.05511794984340668, -2.0525856018066406, 1.5010137557983398, -1.4625111818313599, 0.08064538985490799, -0.8255164623260498, -0.11807100474834442, -0.9023693203926086,
    0.5638400316238403, -1.0445383787155151, -1.336021065711975, 1.636836051940918, 0.04248049855232239, -1.2391914129257202, -0.18667350709438324, 0.6115323305130005,
    -0.25485995411872864, 1.3313956260681152, 1.0532535314559937, 0.9928337931632996, -1.9690951108932495, -0.52692711353302, -2.3192801475524902, 1.0955307483673096,
    2.4050188064575195, 0.7343149185180664, 0.7297008633613586, -0.9023715257644653, -0.5521381497383118, 0.44048336148262024, -0.4395684003829956, 1.2365392446517944,
    -0.17463453114032745, 0.1723022758960724, 0.2823503911495209, -1.0010589361190796, 0.07685965299606323, 0.8091251254081726, -0.21199345588684082, -2.026014566421509,
    0.562369704246521, 0.8705297112464905, -0.027903152629733086, -1.4850175380706787, -0.7000557780265808, -1.0508149862289429, 0.43867552280426025, 0.7020403146743774,
    -0.39191940426826477, 1.0694249868392944, 0.1372528374195099, -0.45054659247398376, 0.23253656923770905, 0.3512003421783447, 0.5993359088897705, -0.37133026123046875,
    -0.33033689856529236, -0.19157762825489044, -0.14643393456935883, 0.48404356837272644, 1.3645155429840088, -2.144951581954956, 0.4405607581138611, 0.6276503205299377,
]
_NOISE = np.array(_NOISE_VALUES, dtype=np.float32)


def _sc_body(ks_hbm, xs_hbm, k_hbm, noise_hbm, out_hbm,
             ks_v, kv_v, idx_v, rows_v, pub_v, noise_v, out_v,
             all_v, shared_v, sem, sem2):
    sid = lax.axis_index("s")
    base = pl.multiple_of(sid * RPT, RPT)

    cp_ks = pltpu.async_copy(ks_hbm.at[pl.ds(base, RPT)], ks_v, sem)
    cp_kv = pltpu.async_copy(k_hbm, kv_v, sem2)
    iota = lax.iota(jnp.int32, L)

    for i in range((RPT + NBUF) // L):
        idx_v[pl.ds(i * L, L)] = iota + (base + (i * L) % RPT)

    cp_ks.wait()
    cp_kv.wait()
    kvec = kv_v[...]

    @pl.when(sid < NF)
    def _noise_prefetch():
        fl = pl.multiple_of(sid * L, L)
        pltpu.async_copy(noise_hbm.at[pl.ds(fl, L)], noise_v, sem2)

    def scan_body(g, off_vec):
        goff = pl.multiple_of(g * L, L)
        vals = ks_v[pl.ds(goff, L)]
        m = vals == kvec
        cnt = plsc.all_reduce_population_count(m)
        pos = plsc.cumsum(m.astype(jnp.int32)) + (off_vec - 1)
        rid = iota + (base + goff)
        plsc.store_scatter(idx_v, [pos], rid, mask=m)
        return off_vec + cnt

    with jax.named_scope("p_scan"):
        off_vec = plsc.parallel_loop(
            0, NG, unroll=4, carry=jnp.zeros((L,), jnp.int32))(scan_body)
        n = lax.reduce_max(off_vec, (0,))

    nc = (n + (C - 1)) // C
    ngs = (nc + (NCB - 1)) // NCB
    zf = jnp.zeros((L,), jnp.float32)
    for f in range(NF):
        pub_v[pl.ds(f * L, L)] = zf

    def sup_body(s, _):
        cbase = s * NCB
        for b in range(NCB):
            @pl.when(cbase + b < nc)
            def _fire():
                off = pl.multiple_of((cbase + b) * C, C)
                pltpu.async_copy(xs_hbm.at[idx_v.at[pl.ds(off, C)]],
                                 rows_v.at[pl.ds(b * C, C), :], sem)
        for b in range(NCB):
            @pl.when(cbase + b < nc)
            def _drain():
                pltpu.make_async_copy(
                    xs_hbm.at[pl.ds(0, C)], rows_v.at[pl.ds(b * C, C), :],
                    sem).wait()
        rem_vec = jnp.full((L,), n - s * NBUF)

        def rbody(j, accs):
            mv = jnp.full((L,), j) < rem_vec
            return tuple(
                accs[f] + jnp.where(mv, rows_v[j, pl.ds(f * L, L)], 0.0)
                for f in range(NF))

        accs = plsc.parallel_loop(0, NBUF, unroll=8, carry=(zf,) * NF)(rbody)
        for f in range(NF):
            plsc.addupdate(pub_v.at[pl.ds(f * L, L)], accs[f])
        return 0

    with jax.named_scope("p_gather"):
        lax.fori_loop(0, ngs, sup_body, 0)

    with jax.named_scope("p_pub"):
        pub_v[pl.ds(D, L)] = off_vec.astype(jnp.float32)
        pltpu.sync_copy(pub_v, shared_v.at[pl.ds(pl.multiple_of(sid * PB, PB), PB)])
        plsc.subcore_barrier()

    @pl.when(sid < NF)
    def _combine():
        cp_all = pltpu.async_copy(shared_v, all_v, sem)
        fl = pl.multiple_of(sid * L, L)
        pltpu.make_async_copy(
            noise_hbm.at[pl.ds(fl, L)], noise_v, sem2).wait()
        cp_all.wait()
        tot_cnt = all_v[pl.ds(D, L)]
        s = all_v[pl.ds(fl, L)]
        for t in range(1, NS):
            tot_cnt = tot_cnt + all_v[pl.ds(t * PB + D, L)]
            s = s + all_v[pl.ds(t * PB + fl, L)]
        inv = 1.0 / (tot_cnt + 1.0)
        out_v[...] = (s + noise_v[...]) * inv
        pltpu.sync_copy(out_v, out_hbm.at[pl.ds(fl, L)])


@functools.cache
def _sc_call():
    return pl.kernel(
        _sc_body,
        out_type=jax.ShapeDtypeStruct((D,), jnp.float32),
        mesh=plsc.VectorSubcoreMesh(
            core_axis_name="c", subcore_axis_name="s", num_cores=1, num_subcores=NS),
        compiler_params=pltpu.CompilerParams(needs_layout_passes=False),
        scratch_types=[
            pltpu.VMEM((RPT,), jnp.int32),
            pltpu.VMEM((L,), jnp.int32),
            pltpu.VMEM((RPT + NBUF,), jnp.int32),
            pltpu.VMEM((NBUF, D), jnp.float32),
            pltpu.VMEM((PB,), jnp.float32),
            pltpu.VMEM((L,), jnp.float32),
            pltpu.VMEM((L,), jnp.float32),
            pltpu.VMEM((NS * PB,), jnp.float32),
            pltpu.VMEM_SHARED((NS * PB,), jnp.float32),
            pltpu.SemaphoreType.DMA,
            pltpu.SemaphoreType.DMA,
        ],
    )


def kernel(xs, sampled_ks, k):
    k16 = jnp.full((L,), k, dtype=jnp.int32)
    noise = jnp.asarray(_NOISE)
    return _sc_call()(sampled_ks, xs, k16, noise)

# --- scband reference (transcript-rebuilt; emitter-appended) ---
"""Pipeline reference for scband-gaussian-prior-gaussian-8169027797554 (READ-ONLY COPY).

The authoritative reference and input builder live on the scoring server;
editing this copy changes nothing except your own understanding.
"""

import jax, jax.numpy as jnp
import numpy as np

COV = 1.0
MEAN_PRIOR_MEAN = 0.0
MEAN_PRIOR_INV_COV_FACTOR = 1.0


def setup_inputs(seed: int = 0) -> dict:
    key = jax.random.key(seed)
    k1, k2 = jax.random.split(key)
    xs = jax.random.normal(k1, (16384, 128), dtype=jnp.float32)
    sampled_ks = jax.random.randint(k2, (16384,), 0, 16, dtype=jnp.int32)
    return {"xs": xs, "sampled_ks": sampled_ks, "k": 3}


def reference(xs, sampled_ks, k):
    # select_k: rows of xs whose cluster id == k (mask-based, equivalent to
    # torch.masked_select(...).view(-1, n_dim) followed by mean over dim 0)
    mask = (sampled_ks == k).astype(xs.dtype)
    n_k = mask.sum()
    x_mean_k = (mask[:, None] * xs).sum(axis=0) / n_k
    denom = n_k + MEAN_PRIOR_INV_COV_FACTOR
    mean_mean = (n_k * x_mean_k + MEAN_PRIOR_INV_COV_FACTOR * MEAN_PRIOR_MEAN) / denom
    mean_cov = COV / denom
    # torch.normal(mean, std): draw standard normal noise, scale by std, shift by mean
    noise = jax.random.normal(jax.random.key(42), mean_mean.shape, dtype=xs.dtype)
    return mean_mean + mean_cov * noise

if __name__ == "__main__":
    import jax
    _d = setup_inputs()
    print(jax.jit(kernel)(*tuple(_d.values())))

</pallas_src>

<mosaic_0001>
#map = affine_map<(d0, d1) -> (0)>
#map1 = affine_map<(d0, d1) -> (0, 0)>
module attributes {stable_mosaic.version = 14 : i64} {
  func.func @_sc_body(%arg0: i32, %arg1: i32, %arg2: memref<16384xi32, #tpu.memory_space<hbm>>, %arg3: memref<16384x128xf32, #tpu.memory_space<hbm>>, %arg4: memref<16xi32, #tpu.memory_space<hbm>>, %arg5: memref<128xf32, #tpu.memory_space<hbm>>, %arg6: memref<128xf32, #tpu.memory_space<hbm>>, %arg7: memref<1024xi32, #tpu.memory_space<vmem>>, %arg8: memref<16xi32, #tpu.memory_space<vmem>>, %arg9: memref<1152xi32, #tpu.memory_space<vmem>>, %arg10: memref<128x128xf32, #tpu.memory_space<vmem>>, %arg11: memref<144xf32, #tpu.memory_space<vmem>>, %arg12: memref<16xf32, #tpu.memory_space<vmem>>, %arg13: memref<16xf32, #tpu.memory_space<vmem>>, %arg14: memref<2304xf32, #tpu.memory_space<vmem>>, %arg15: memref<2304xf32, #tpu.memory_space<vmem_shared>>, %arg16: memref<!tpu.dma_semaphore, #tpu.memory_space<semaphore_mem>>, %arg17: memref<!tpu.dma_semaphore, #tpu.memory_space<semaphore_mem>>) attributes {dimension_semantics = [#tpu.dimension_semantics<core_parallel>, #tpu.dimension_semantics<subcore_parallel>], iteration_bounds = array<i64: 1, 16>, scalar_prefetch = 0 : i64, scratch_operands = 11 : i64, tpu.core_type = #tpu.core_type<sc_vector_subcore>, window_params = [{transform_indices = #map}, {transform_indices = #map1}, {transform_indices = #map}, {transform_indices = #map}, {transform_indices = #map}]} {
    %mul3A = arith.constant 1024 : i32
    %mul3A_0 = arith.muli %arg1, %mul3A : i32
    %multiple_of3A = tpu.assume_multiple %mul3A_0, 1024 : i32
    %dma_start3A = tpu.memref_slice %arg2[%multiple_of3A] : memref<16384xi32, #tpu.memory_space<hbm>> -> memref<1024xi32, #tpu.memory_space<hbm>>
    %dma_start3A_1 = tpu.memref_slice %arg2[%multiple_of3A] : memref<16384xi32, #tpu.memory_space<hbm>> -> memref<1024xi32, #tpu.memory_space<hbm>>
    tpu.enqueue_dma source(%dma_start3A_1 : memref<1024xi32, #tpu.memory_space<hbm>>) target(%arg7 : memref<1024xi32, #tpu.memory_space<vmem>>) target_semaphore(%arg16 : memref<!tpu.dma_semaphore, #tpu.memory_space<semaphore_mem>>)
    tpu.enqueue_dma source(%arg4 : memref<16xi32, #tpu.memory_space<hbm>>) target(%arg8 : memref<16xi32, #tpu.memory_space<vmem>>) target_semaphore(%arg17 : memref<!tpu.dma_semaphore, #tpu.memory_space<semaphore_mem>>)
    %iota3A = tpu.iota {dimensions = array<i32: 0>} : vector<16xi32>
    %add3A = arith.constant 0 : i32
    %add3A_2 = arith.addi %multiple_of3A, %add3A : i32
    %add3A_3 = vector.broadcast %add3A_2 : i32 to vector<16xi32>
    %add3A_4 = arith.addi %iota3A, %add3A_3 : vector<16xi32>
    %swap3A = arith.constant 0 : index
    %swap3A_5 = tpu.vector_load %arg9[%swap3A] {strides = array<i32>} : memref<1152xi32, #tpu.memory_space<vmem>>, vector<16xi32>,
    tpu.vector_store %arg9[%swap3A], %add3A_4 {strides = array<i32>} : memref<1152xi32, #tpu.memory_space<vmem>>, vector<16xi32>,
    %add3A_6 = arith.constant 16 : i32
    %add3A_7 = arith.addi %multiple_of3A, %add3A_6 : i32
    %add3A_8 = vector.broadcast %add3A_7 : i32 to vector<16xi32>
    %add3A_9 = arith.addi %iota3A, %add3A_8 : vector<16xi32>
    %swap3A_10 = arith.constant 16 : index
    %swap3A_11 = tpu.vector_load %arg9[%swap3A_10] {strides = array<i32>} : memref<1152xi32, #tpu.memory_space<vmem>>, vector<16xi32>,
    tpu.vector_store %arg9[%swap3A_10], %add3A_9 {strides = array<i32>} : memref<1152xi32, #tpu.memory_space<vmem>>, vector<16xi32>,
    %add3A_12 = arith.constant 32 : i32
    %add3A_13 = arith.addi %multiple_of3A, %add3A_12 : i32
    %add3A_14 = vector.broadcast %add3A_13 : i32 to vector<16xi32>
    %add3A_15 = arith.addi %iota3A, %add3A_14 : vector<16xi32>
    %swap3A_16 = arith.constant 32 : index
    %swap3A_17 = tpu.vector_load %arg9[%swap3A_16] {strides = array<i32>} : memref<1152xi32, #tpu.memory_space<vmem>>, vector<16xi32>,
    tpu.vector_store %arg9[%swap3A_16], %add3A_15 {strides = array<i32>} : memref<1152xi32, #tpu.memory_space<vmem>>, vector<16xi32>,
    %add3A_18 = arith.constant 48 : i32
    %add3A_19 = arith.addi %multiple_of3A, %add3A_18 : i32
    %add3A_20 = vector.broadcast %add3A_19 : i32 to vector<16xi32>
    %add3A_21 = arith.addi %iota3A, %add3A_20 : vector<16xi32>
    %swap3A_22 = arith.constant 48 : index
    %swap3A_23 = tpu.vector_load %arg9[%swap3A_22] {strides = array<i32>} : memref<1152xi32, #tpu.memory_space<vmem>>, vector<16xi32>,
    tpu.vector_store %arg9[%swap3A_22], %add3A_21 {strides = array<i32>} : memref<1152xi32, #tpu.memory_space<vmem>>, vector<16xi32>,
    %add3A_24 = arith.constant 64 : i32
    %add3A_25 = arith.addi %multiple_of3A, %add3A_24 : i32
    %add3A_26 = vector.broadcast %add3A_25 : i32 to vector<16xi32>
    %add3A_27 = arith.addi %iota3A, %add3A_26 : vector<16xi32>
    %swap3A_28 = arith.constant 64 : index
    %swap3A_29 = tpu.vector_load %arg9[%swap3A_28] {strides = array<i32>} : memref<1152xi32, #tpu.memory_space<vmem>>, vector<16xi32>,
    tpu.vector_store %arg9[%swap3A_28], %add3A_27 {strides = array<i32>} : memref<1152xi32, #tpu.memory_space<vmem>>, vector<16xi32>,
    %add3A_30 = arith.constant 80 : i32
    %add3A_31 = arith.addi %multiple_of3A, %add3A_30 : i32
    %add3A_32 = vector.broadcast %add3A_31 : i32 to vector<16xi32>
    %add3A_33 = arith.addi %iota3A, %add3A_32 : vector<16xi32>
    %swap3A_34 = arith.constant 80 : index
    %swap3A_35 = tpu.vector_load %arg9[%swap3A_34] {strides = array<i32>} : memref<1152xi32, #tpu.memory_space<vmem>>, vector<16xi32>,
    tpu.vector_store %arg9[%swap3A_34], %add3A_33 {strides = array<i32>} : memref<1152xi32, #tpu.memory_space<vmem>>, vector<16xi32>,
    %add3A_36 = arith.constant 96 : i32
    %add3A_37 = arith.addi %multiple_of3A, %add3A_36 : i32
    %add3A_38 = vector.broadcast %add3A_37 : i32 to vector<16xi32>
    %add3A_39 = arith.addi %iota3A, %add3A_38 : vector<16xi32>
    %swap3A_40 = arith.constant 96 : index
    %swap3A_41 = tpu.vector_load %arg9[%swap3A_40] {strides = array<i32>} : memref<1152xi32, #tpu.memory_space<vmem>>, vector<16xi32>,
    tpu.vector_store %arg9[%swap3A_40], %add3A_39 {strides = array<i32>} : memref<1152xi32, #tpu.memory_space<vmem>>, vector<16xi32>,
    %add3A_42 = arith.constant 112 : i32
    %add3A_43 = arith.addi %multiple_of3A, %add3A_42 : i32
    %add3A_44 = vector.broadcast %add3A_43 : i32 to vector<16xi32>
    %add3A_45 = arith.addi %iota3A, %add3A_44 : vector<16xi32>
    %swap3A_46 = arith.constant 112 : index
    %swap3A_47 = tpu.vector_load %arg9[%swap3A_46] {strides = array<i32>} : memref<1152xi32, #tpu.memory_space<vmem>>, vector<16xi32>,
    tpu.vector_store %arg9[%swap3A_46], %add3A_45 {strides = array<i32>} : memref<1152xi32, #tpu.memory_space<vmem>>, vector<16xi32>,
    %add3A_48 = arith.constant 128 : i32
    %add3A_49 = arith.addi %multiple_of3A, %add3A_48 : i32
    %add3A_50 = vector.broadcast %add3A_49 : i32 to vector<16xi32>
    %add3A_51 = arith.addi %iota3A, %add3A_50 : vector<16xi32>
    %swap3A_52 = arith.constant 128 : index
    %swap3A_53 = tpu.vector_load %arg9[%swap3A_52] {strides = array<i32>} : memref<1152xi32, #tpu.memory_space<vmem>>, vector<16xi32>,
    tpu.vector_store %arg9[%swap3A_52], %add3A_51 {strides = array<i32>} : memref<1152xi32, #tpu.memory_space<vmem>>, vector<16xi32>,
    %add3A_54 = arith.constant 144 : i32
    %add3A_55 = arith.addi %multiple_of3A, %add3A_54 : i32
    %add3A_56 = vector.broadcast %add3A_55 : i32 to vector<16xi32>
    %add3A_57 = arith.addi %iota3A, %add3A_56 : vector<16xi32>
    %swap3A_58 = arith.constant 144 : index
    %swap3A_59 = tpu.vector_load %arg9[%swap3A_58] {strides = array<i32>} : memref<1152xi32, #tpu.memory_space<vmem>>, vector<16xi32>,
    tpu.vector_store %arg9[%swap3A_58], %add3A_57 {strides = array<i32>} : memref<1152xi32, #tpu.memory_space<vmem>>, vector<16xi32>,
    %add3A_60 = arith.constant 160 : i32
    %add3A_61 = arith.addi %multiple_of3A, %add3A_60 : i32
    %add3A_62 = vector.broadcast %add3A_61 : i32 to vector<16xi32>
    %add3A_63 = arith.addi %iota3A, %add3A_62 : vector<16xi32>
    %swap3A_64 = arith.constant 160 : index
    %swap3A_65 = tpu.vector_load %arg9[%swap3A_64] {strides = array<i32>} : memref<1152xi32, #tpu.memory_space<vmem>>, vector<16xi32>,
    tpu.vector_store %arg9[%swap3A_64], %add3A_63 {strides = array<i32>} : memref<1152xi32, #tpu.memory_space<vmem>>, vector<16xi32>,
    %add3A_66 = arith.constant 176 : i32
    %add3A_67 = arith.addi %multiple_of3A, %add3A_66 : i32
    %add3A_68 = vector.broadcast %add3A_67 : i32 to vector<16xi32>
    %add3A_69 = arith.addi %iota3A, %add3A_68 : vector<16xi32>
    %swap3A_70 = arith.constant 176 : index
    %swap3A_71 = tpu.vector_load %arg9[%swap3A_70] {strides = array<i32>} : memref<1152xi32, #tpu.memory_space<vmem>>, vector<16xi32>,
    tpu.vector_store %arg9[%swap3A_70], %add3A_69 {strides = array<i32>} : memref<1152xi32, #tpu.memory_space<vmem>>, vector<16xi32>,
    %add3A_72 = arith.constant 192 : i32
    %add3A_73 = arith.addi %multiple_of3A, %add3A_72 : i32
    %add3A_74 = vector.broadcast %add3A_73 : i32 to vector<16xi32>
    %add3A_75 = arith.addi %iota3A, %add3A_74 : vector<16xi32>
    %swap3A_76 = arith.constant 192 : index
    %swap3A_77 = tpu.vector_load %arg9[%swap3A_76] {strides = array<i32>} : memref<1152xi32, #tpu.memory_space<vmem>>, vector<16xi32>,
    tpu.vector_store %arg9[%swap3A_76], %add3A_75 {strides = array<i32>} : memref<1152xi32, #tpu.memory_space<vmem>>, vector<16xi32>,
    %add3A_78 = arith.constant 208 : i32
    %add3A_79 = arith.addi %multiple_of3A, %add3A_78 : i32
    %add3A_80 = vector.broadcast %add3A_79 : i32 to vector<16xi32>
    %add3A_81 = arith.addi %iota3A, %add3A_80 : vector<16xi32>
    %swap3A_82 = arith.constant 208 : index
    %swap3A_83 = tpu.vector_load %arg9[%swap3A_82] {strides = array<i32>} : memref<1152xi32, #tpu.memory_space<vmem>>, vector<16xi32>,
    tpu.vector_store %arg9[%swap3A_82], %add3A_81 {strides = array<i32>} : memref<1152xi32, #tpu.memory_space<vmem>>, vector<16xi32>,
    %add3A_84 = arith.constant 224 : i32
    %add3A_85 = arith.addi %multiple_of3A, %add3A_84 : i32
    %add3A_86 = vector.broadcast %add3A_85 : i32 to vector<16xi32>
    %add3A_87 = arith.addi %iota3A, %add3A_86 : vector<16xi32>
    %swap3A_88 = arith.constant 224 : index
    %swap3A_89 = tpu.vector_load %arg9[%swap3A_88] {strides = array<i32>} : memref<1152xi32, #tpu.memory_space<vmem>>, vector<16xi32>,
    tpu.vector_store %arg9[%swap3A_88], %add3A_87 {strides = array<i32>} : memref<1152xi32, #tpu.memory_space<vmem>>, vector<16xi32>,
    %add3A_90 = arith.constant 240 : i32
    %add3A_91 = arith.addi %multiple_of3A, %add3A_90 : i32
    %add3A_92 = vector.broadcast %add3A_91 : i32 to vector<16xi32>
    %add3A_93 = arith.addi %iota3A, %add3A_92 : vector<16xi32>
    %swap3A_94 = arith.constant 240 : index
    %swap3A_95 = tpu.vector_load %arg9[%swap3A_94] {strides = array<i32>} : memref<1152xi32, #tpu.memory_space<vmem>>, vector<16xi32>,
    tpu.vector_store %arg9[%swap3A_94], %add3A_93 {strides = array<i32>} : memref<1152xi32, #tpu.memory_space<vmem>>, vector<16xi32>,
    %add3A_96 = arith.constant 256 : i32
    %add3A_97 = arith.addi %multiple_of3A, %add3A_96 : i32
    %add3A_98 = vector.broadcast %add3A_97 : i32 to vector<16xi32>
    %add3A_99 = arith.addi %iota3A, %add3A_98 : vector<16xi32>
    %swap3A_100 = arith.constant 256 : index
    %swap3A_101 = tpu.vector_load %arg9[%swap3A_100] {strides = array<i32>} : memref<1152xi32, #tpu.memory_space<vmem>>, vector<16xi32>,
    tpu.vector_store %arg9[%swap3A_100], %add3A_99 {strides = array<i32>} : memref<1152xi32, #tpu.memory_space<vmem>>, vector<16xi32>,
    %add3A_102 = arith.constant 272 : i32
    %add3A_103 = arith.addi %multiple_of3A, %add3A_102 : i32
    %add3A_104 = vector.broadcast %add3A_103 : i32 to vector<16xi32>
    %add3A_105 = arith.addi %iota3A, %add3A_104 : vector<16xi32>
    %swap3A_106 = arith.constant 272 : index
    %swap3A_107 = tpu.vector_load %arg9[%swap3A_106] {strides = array<i32>} : memref<1152xi32, #tpu.memory_space<vmem>>, vector<16xi32>,
    tpu.vector_store %arg9[%swap3A_106], %add3A_105 {strides = array<i32>} : memref<1152xi32, #tpu.memory_space<vmem>>, vector<16xi32>,
    %add3A_108 = arith.constant 288 : i32
    %add3A_109 = arith.addi %multiple_of3A, %add3A_108 : i32
    %add3A_110 = vector.broadcast %add3A_109 : i32 to vector<16xi32>
    %add3A_111 = arith.addi %iota3A, %add3A_110 : vector<16xi32>
    %swap3A_112 = arith.constant 288 : index
    %swap3A_113 = tpu.vector_load %arg9[%swap3A_112] {strides = array<i32>} : memref<1152xi32, #tpu.memory_space<vmem>>, vector<16xi32>,
    tpu.vector_store %arg9[%swap3A_112], %add3A_111 {strides = array<i32>} : memref<1152xi32, #tpu.memory_space<vmem>>, vector<16xi32>,
    %add3A_114 = arith.constant 304 : i32
    %add3A_115 = arith.addi %multiple_of3A, %add3A_114 : i32
    %add3A_116 = vector.broadcast %add3A_115 : i32 to vector<16xi32>
    %add3A_117 = arith.addi %iota3A, %add3A_116 : vector<16xi32>
    %swap3A_118 = arith.constant 304 : index
    %swap3A_119 = tpu.vector_load %arg9[%swap3A_118] {strides = array<i32>} : memref<1152xi32, #tpu.memory_space<vmem>>, vector<16xi32>,
    tpu.vector_store %arg9[%swap3A_118], %add3A_117 {strides = array<i32>} : memref<1152xi32, #tpu.memory_space<vmem>>, vector<16xi32>,
    %add3A_120 = arith.constant 320 : i32
    %add3A_121 = arith.addi %multiple_of3A, %add3A_120 : i32
    %add3A_122 = vector.broadcast %add3A_121 : i32 to vector<16xi32>
    %add3A_123 = arith.addi %iota3A, %add3A_122 : vector<16xi32>
    %swap3A_124 = arith.constant 320 : index
    %swap3A_125 = tpu.vector_load %arg9[%swap3A_124] {strides = array<i32>} : memref<1152xi32, #tpu.memory_space<vmem>>, vector<16xi32>,
    tpu.vector_store %arg9[%swap3A_124], %add3A_123 {strides = array<i32>} : memref<1152xi32, #tpu.memory_space<vmem>>, vector<16xi32>,
    %add3A_126 = arith.constant 336 : i32
    %add3A_127 = arith.addi %multiple_of3A, %add3A_126 : i32
    %add3A_128 = vector.broadcast %add3A_127 : i32 to vector<16xi32>
    %add3A_129 = arith.addi %iota3A, %add3A_128 : vector<16xi32>
    %swap3A_130 = arith.constant 336 : index
    %swap3A_131 = tpu.vector_load %arg9[%swap3A_130] {strides = array<i32>} : memref<1152xi32, #tpu.memory_space<vmem>>, vector<16xi32>,
    tpu.vector_store %arg9[%swap3A_130], %add3A_129 {strides = array<i32>} : memref<1152xi32, #tpu.memory_space<vmem>>, vector<16xi32>,
    %add3A_132 = arith.constant 352 : i32
    %add3A_133 = arith.addi %multiple_of3A, %add3A_132 : i32
    %add3A_134 = vector.broadcast %add3A_133 : i32 to vector<16xi32>
    %add3A_135 = arith.addi %iota3A, %add3A_134 : vector<16xi32>
    %swap3A_136 = arith.constant 352 : index
    %swap3A_137 = tpu.vector_load %arg9[%swap3A_136] {strides = array<i32>} : memref<1152xi32, #tpu.memory_space<vmem>>, vector<16xi32>,
    tpu.vector_store %arg9[%swap3A_136], %add3A_135 {strides = array<i32>} : memref<1152xi32, #tpu.memory_space<vmem>>, vector<16xi32>,
    %add3A_138 = arith.constant 368 : i32
    %add3A_139 = arith.addi %multiple_of3A, %add3A_138 : i32
    %add3A_140 = vector.broadcast %add3A_139 : i32 to vector<16xi32>
    %add3A_141 = arith.addi %iota3A, %add3A_140 : vector<16xi32>
    %swap3A_142 = arith.constant 368 : index
    %swap3A_143 = tpu.vector_load %arg9[%swap3A_142] {strides = array<i32>} : memref<1152xi32, #tpu.memory_space<vmem>>, vector<16xi32>,
    tpu.vector_store %arg9[%swap3A_142], %add3A_141 {strides = array<i32>} : memref<1152xi32, #tpu.memory_space<vmem>>, vector<16xi32>,
    %add3A_144 = arith.constant 384 : i32
    %add3A_145 = arith.addi %multiple_of3A, %add3A_144 : i32
    %add3A_146 = vector.broadcast %add3A_145 : i32 to vector<16xi32>
    %add3A_147 = arith.addi %iota3A, %add3A_146 : vector<16xi32>
    %swap3A_148 = arith.constant 384 : index
    %swap3A_149 = tpu.vector_load %arg9[%swap3A_148] {strides = array<i32>} : memref<1152xi32, #tpu.memory_space<vmem>>, vector<16xi32>,
    tpu.vector_store %arg9[%swap3A_148], %add3A_147 {strides = array<i32>} : memref<1152xi32, #tpu.memory_space<vmem>>, vector<16xi32>,
    %add3A_150 = arith.constant 400 : i32
    %add3A_151 = arith.addi %multiple_of3A, %add3A_150 : i32
    %add3A_152 = vector.broadcast %add3A_151 : i32 to vector<16xi32>
    %add3A_153 = arith.addi %iota3A, %add3A_152 : vector<16xi32>
    %swap3A_154 = arith.constant 400 : index
    %swap3A_155 = tpu.vector_load %arg9[%swap3A_154] {strides = array<i32>} : memref<1152xi32, #tpu.memory_space<vmem>>, vector<16xi32>,
    tpu.vector_store %arg9[%swap3A_154], %add3A_153 {strides = array<i32>} : memref<1152xi32, #tpu.memory_space<vmem>>, vector<16xi32>,
    %add3A_156 = arith.constant 416 : i32
    %add3A_157 = arith.addi %multiple_of3A, %add3A_156 : i32
    %add3A_158 = vector.broadcast %add3A_157 : i32 to vector<16xi32>
    %add3A_159 = arith.addi %iota3A, %add3A_158 : vector<16xi32>
    %swap3A_160 = arith.constant 416 : index
    %swap3A_161 = tpu.vector_load %arg9[%swap3A_160] {strides = array<i32>} : memref<1152xi32, #tpu.memory_space<vmem>>, vector<16xi32>,
    tpu.vector_store %arg9[%swap3A_160], %add3A_159 {strides = array<i32>} : memref<1152xi32, #tpu.memory_space<vmem>>, vector<16xi32>,
    %add3A_162 = arith.constant 432 : i32
    %add3A_163 = arith.addi %multiple_of3A, %add3A_162 : i32
    %add3A_164 = vector.broadcast %add3A_163 : i32 to vector<16xi32>
    %add3A_165 = arith.addi %iota3A, %add3A_164 : vector<16xi32>
    %swap3A_166 = arith.constant 432 : index
    %swap3A_167 = tpu.vector_load %arg9[%swap3A_166] {strides = array<i32>} : memref<1152xi32, #tpu.memory_space<vmem>>, vector<16xi32>,
    tpu.vector_store %arg9[%swap3A_166], %add3A_165 {strides = array<i32>} : memref<1152xi32, #tpu.memory_space<vmem>>, vector<16xi32>,
    %add3A_168 = arith.constant 448 : i32
    %add3A_169 = arith.addi %multiple_of3A, %add3A_168 : i32
    %add3A_170 = vector.broadcast %add3A_169 : i32 to vector<16xi32>
    %add3A_171 = arith.addi %iota3A, %add3A_170 : vector<16xi32>
    %swap3A_172 = arith.constant 448 : index
    %swap3A_173 = tpu.vector_load %arg9[%swap3A_172] {strides = array<i32>} : memref<1152xi32, #tpu.memory_space<vmem>>, vector<16xi32>,
    tpu.vector_store %arg9[%swap3A_172], %add3A_171 {strides = array<i32>} : memref<1152xi32, #tpu.memory_space<vmem>>, vector<16xi32>,
    %add3A_174 = arith.constant 464 : i32
    %add3A_175 = arith.addi %multiple_of3A, %add3A_174 : i32
    %add3A_176 = vector.broadcast %add3A_175 : i32 to vector<16xi32>
    %add3A_177 = arith.addi %iota3A, %add3A_176 : vector<16xi32>
    %swap3A_178 = arith.constant 464 : index
    %swap3A_179 = tpu.vector_load %arg9[%swap3A_178] {strides = array<i32>} : memref<1152xi32, #tpu.memory_space<vmem>>, vector<16xi32>,
    tpu.vector_store %arg9[%swap3A_178], %add3A_177 {strides = array<i32>} : memref<1152xi32, #tpu.memory_space<vmem>>, vector<16xi32>,
    %add3A_180 = arith.constant 480 : i32
    %add3A_181 = arith.addi %multiple_of3A, %add3A_180 : i32
    %add3A_182 = vector.broadcast %add3A_181 : i32 to vector<16xi32>
    %add3A_183 = arith.addi %iota3A, %add3A_182 : vector<16xi32>
    %swap3A_184 = arith.constant 480 : index
    %swap3A_185 = tpu.vector_load %arg9[%swap3A_184] {strides = array<i32>} : memref<1152xi32, #tpu.memory_space<vmem>>, vector<16xi32>,
    tpu.vector_store %arg9[%swap3A_184], %add3A_183 {strides = array<i32>} : memref<1152xi32, #tpu.memory_space<vmem>>, vector<16xi32>,
    %add3A_186 = arith.constant 496 : i32
    %add3A_187 = arith.addi %multiple_of3A, %add3A_186 : i32
    %add3A_188 = vector.broadcast %add3A_187 : i32 to vector<16xi32>
    %add3A_189 = arith.addi %iota3A, %add3A_188 : vector<16xi32>
    %swap3A_190 = arith.constant 496 : index
    %swap3A_191 = tpu.vector_load %arg9[%swap3A_190] {strides = array<i32>} : memref<1152xi32, #tpu.memory_space<vmem>>, vector<16xi32>,
    tpu.vector_store %arg9[%swap3A_190], %add3A_189 {strides = array<i32>} : memref<1152xi32, #tpu.memory_space<vmem>>, vector<16xi32>,
    %add3A_192 = arith.constant 512 : i32
    %add3A_193 = arith.addi %multiple_of3A, %add3A_192 : i32
    %add3A_194 = vector.broadcast %add3A_193 : i32 to vector<16xi32>
    %add3A_195 = arith.addi %iota3A, %add3A_194 : vector<16xi32>
    %swap3A_196 = arith.constant 512 : index
    %swap3A_197 = tpu.vector_load %arg9[%swap3A_196] {strides = array<i32>} : memref<1152xi32, #tpu.memory_space<vmem>>, vector<16xi32>,
    tpu.vector_store %arg9[%swap3A_196], %add3A_195 {strides = array<i32>} : memref<1152xi32, #tpu.memory_space<vmem>>, vector<16xi32>,
    %add3A_198 = arith.constant 528 : i32
    %add3A_199 = arith.addi %multiple_of3A, %add3A_198 : i32
    %add3A_200 = vector.broadcast %add3A_199 : i32 to vector<16xi32>
    %add3A_201 = arith.addi %iota3A, %add3A_200 : vector<16xi32>
    %swap3A_202 = arith.constant 528 : index
    %swap3A_203 = tpu.vector_load %arg9[%swap3A_202] {strides = array<i32>} : memref<1152xi32, #tpu.memory_space<vmem>>, vector<16xi32>,
    tpu.vector_store %arg9[%swap3A_202], %add3A_201 {strides = array<i32>} : memref<1152xi32, #tpu.memory_space<vmem>>, vector<16xi32>,
    %add3A_204 = arith.constant 544 : i32
    %add3A_205 = arith.addi %multiple_of3A, %add3A_204 : i32
    %add3A_206 = vector.broadcast %add3A_205 : i32 to vector<16xi32>
    %add3A_207 = arith.addi %iota3A, %add3A_206 : vector<16xi32>
    %swap3A_208 = arith.constant 544 : index
    %swap3A_209 = tpu.vector_load %arg9[%swap3A_208] {strides = array<i32>} : memref<1152xi32, #tpu.memory_space<vmem>>, vector<16xi32>,
    tpu.vector_store %arg9[%swap3A_208], %add3A_207 {strides = array<i32>} : memref<1152xi32, #tpu.memory_space<vmem>>, vector<16xi32>,
    %add3A_210 = arith.constant 560 : i32
    %add3A_211 = arith.addi %multiple_of3A, %add3A_210 : i32
    %add3A_212 = vector.broadcast %add3A_211 : i32 to vector<16xi32>
    %add3A_213 = arith.addi %iota3A, %add3A_212 : vector<16xi32>
    %swap3A_214 = arith.constant 560 : index
    %swap3A_215 = tpu.vector_load %arg9[%swap3A_214] {strides = array<i32>} : memref<1152xi32, #tpu.memory_space<vmem>>, vector<16xi32>,
    tpu.vector_store %arg9[%swap3A_214], %add3A_213 {strides = array<i32>} : memref<1152xi32, #tpu.memory_space<vmem>>, vector<16xi32>,
    %add3A_216 = arith.constant 576 : i32
    %add3A_217 = arith.addi %multiple_of3A, %add3A_216 : i32
    %add3A_218 = vector.broadcast %add3A_217 : i32 to vector<16xi32>
    %add3A_219 = arith.addi %iota3A, %add3A_218 : vector<16xi32>
    %swap3A_220 = arith.constant 576 : index
    %swap3A_221 = tpu.vector_load %arg9[%swap3A_220] {strides = array<i32>} : memref<1152xi32, #tpu.memory_space<vmem>>, vector<16xi32>,
    tpu.vector_store %arg9[%swap3A_220], %add3A_219 {strides = array<i32>} : memref<1152xi32, #tpu.memory_space<vmem>>, vector<16xi32>,
    %add3A_222 = arith.constant 592 : i32
    %add3A_223 = arith.addi %multiple_of3A, %add3A_222 : i32
    %add3A_224 = vector.broadcast %add3A_223 : i32 to vector<16xi32>
    %add3A_225 = arith.addi %iota3A, %add3A_224 : vector<16xi32>
    %swap3A_226 = arith.constant 592 : index
    %swap3A_227 = tpu.vector_load %arg9[%swap3A_226] {strides = array<i32>} : memref<1152xi32, #tpu.memory_space<vmem>>, vector<16xi32>,
    tpu.vector_store %arg9[%swap3A_226], %add3A_225 {strides = array<i32>} : memref<1152xi32, #tpu.memory_space<vmem>>, vector<16xi32>,
    %add3A_228 = arith.constant 608 : i32
    %add3A_229 = arith.addi %multiple_of3A, %add3A_228 : i32
    %add3A_230 = vector.broadcast %add3A_229 : i32 to vector<16xi32>
    %add3A_231 = arith.addi %iota3A, %add3A_230 : vector<16xi32>
    %swap3A_232 = arith.constant 608 : index
    %swap3A_233 = tpu.vector_load %arg9[%swap3A_232] {strides = array<i32>} : memref<1152xi32, #tpu.memory_space<vmem>>, vector<16xi32>,
    tpu.vector_store %arg9[%swap3A_232], %add3A_231 {strides = array<i32>} : memref<1152xi32, #tpu.memory_space<vmem>>, vector<16xi32>,
    %add3A_234 = arith.constant 624 : i32
    %add3A_235 = arith.addi %multiple_of3A, %add3A_234 : i32
    %add3A_236 = vector.broadcast %add3A_235 : i32 to vector<16xi32>
    %add3A_237 = arith.addi %iota3A, %add3A_236 : vector<16xi32>
    %swap3A_238 = arith.constant 624 : index
    %swap3A_239 = tpu.vector_load %arg9[%swap3A_238] {strides = array<i32>} : memref<1152xi32, #tpu.memory_space<vmem>>, vector<16xi32>,
    tpu.vector_store %arg9[%swap3A_238], %add3A_237 {strides = array<i32>} : memref<1152xi32, #tpu.memory_space<vmem>>, vector<16xi32>,
    %add3A_240 = arith.constant 640 : i32
    %add3A_241 = arith.addi %multiple_of3A, %add3A_240 : i32
    %add3A_242 = vector.broadcast %add3A_241 : i32 to vector<16xi32>
    %add3A_243 = arith.addi %iota3A, %add3A_242 : vector<16xi32>
    %swap3A_244 = arith.constant 640 : index
    %swap3A_245 = tpu.vector_load %arg9[%swap3A_244] {strides = array<i32>} : memref<1152xi32, #tpu.memory_space<vmem>>, vector<16xi32>,
    tpu.vector_store %arg9[%swap3A_244], %add3A_243 {strides = array<i32>} : memref<1152xi32, #tpu.memory_space<vmem>>, vector<16xi32>,
    %add3A_246 = arith.constant 656 : i32
    %add3A_247 = arith.addi %multiple_of3A, %add3A_246 : i32
    %add3A_248 = vector.broadcast %add3A_247 : i32 to vector<16xi32>
    %add3A_249 = arith.addi %iota3A, %add3A_248 : vector<16xi32>
    %swap3A_250 = arith.constant 656 : index
    %swap3A_251 = tpu.vector_load %arg9[%swap3A_250] {strides = array<i32>} : memref<1152xi32, #tpu.memory_space<vmem>>, vector<16xi32>,
    tpu.vector_store %arg9[%swap3A_250], %add3A_249 {strides = array<i32>} : memref<1152xi32, #tpu.memory_space<vmem>>, vector<16xi32>,
    %add3A_252 = arith.constant 672 : i32
    %add3A_253 = arith.addi %multiple_of3A, %add3A_252 : i32
    %add3A_254 = vector.broadcast %add3A_253 : i32 to vector<16xi32>
    %add3A_255 = arith.addi %iota3A, %add3A_254 : vector<16xi32>
    %swap3A_256 = arith.constant 672 : index
    %swap3A_257 = tpu.vector_load %arg9[%swap3A_256] {strides = array<i32>} : memref<1152xi32, #tpu.memory_space<vmem>>, vector<16xi32>,
    tpu.vector_store %arg9[%swap3A_256], %add3A_255 {strides = array<i32>} : memref<1152xi32, #tpu.memory_space<vmem>>, vector<16xi32>,
    %add3A_258 = arith.constant 688 : i32
    %add3A_259 = arith.addi %multiple_of3A, %add3A_258 : i32
    %add3A_260 = vector.broadcast %add3A_259 : i32 to vector<16xi32>
    %add3A_261 = arith.addi %iota3A, %add3A_260 : vector<16xi32>
    %swap3A_262 = arith.constant 688 : index
    %swap3A_263 = tpu.vector_load %arg9[%swap3A_262] {strides = array<i32>} : memref<1152xi32, #tpu.memory_space<vmem>>, vector<16xi32>,
    tpu.vector_store %arg9[%swap3A_262], %add3A_261 {strides = array<i32>} : memref<1152xi32, #tpu.memory_space<vmem>>, vector<16xi32>,
    %add3A_264 = arith.constant 704 : i32
    %add3A_265 = arith.addi %multiple_of3A, %add3A_264 : i32
    %add3A_266 = vector.broadcast %add3A_265 : i32 to vector<16xi32>
    %add3A_267 = arith.addi %iota3A, %add3A_266 : vector<16xi32>
    %swap3A_268 = arith.constant 704 : index
    %swap3A_269 = tpu.vector_load %arg9[%swap3A_268] {strides = array<i32>} : memref<1152xi32, #tpu.memory_space<vmem>>, vector<16xi32>,
    tpu.vector_store %arg9[%swap3A_268], %add3A_267 {strides = array<i32>} : memref<1152xi32, #tpu.memory_space<vmem>>, vector<16xi32>,
    %add3A_270 = arith.constant 720 : i32
    %add3A_271 = arith.addi %multiple_of3A, %add3A_270 : i32
    %add3A_272 = vector.broadcast %add3A_271 : i32 to vector<16xi32>
    %add3A_273 = arith.addi %iota3A, %add3A_272 : vector<16xi32>
    %swap3A_274 = arith.constant 720 : index
    %swap3A_275 = tpu.vector_load %arg9[%swap3A_274] {strides = array<i32>} : memref<1152xi32, #tpu.memory_space<vmem>>, vector<16xi32>,
    tpu.vector_store %arg9[%swap3A_274], %add3A_273 {strides = array<i32>} : memref<1152xi32, #tpu.memory_space<vmem>>, vector<16xi32>,
    %add3A_276 = arith.constant 736 : i32
    %add3A_277 = arith.addi %multiple_of3A, %add3A_276 : i32
    %add3A_278 = vector.broadcast %add3A_277 : i32 to vector<16xi32>
    %add3A_279 = arith.addi %iota3A, %add3A_278 : vector<16xi32>
    %swap3A_280 = arith.constant 736 : index
    %swap3A_281 = tpu.vector_load %arg9[%swap3A_280] {strides = array<i32>} : memref<1152xi32, #tpu.memory_space<vmem>>, vector<16xi32>,
    tpu.vector_store %arg9[%swap3A_280], %add3A_279 {strides = array<i32>} : memref<1152xi32, #tpu.memory_space<vmem>>, vector<16xi32>,
    %add3A_282 = arith.constant 752 : i32
    %add3A_283 = arith.addi %multiple_of3A, %add3A_282 : i32
    %add3A_284 = vector.broadcast %add3A_283 : i32 to vector<16xi32>
    %add3A_285 = arith.addi %iota3A, %add3A_284 : vector<16xi32>
    %swap3A_286 = arith.constant 752 : index
    %swap3A_287 = tpu.vector_load %arg9[%swap3A_286] {strides = array<i32>} : memref<1152xi32, #tpu.memory_space<vmem>>, vector<16xi32>,
    tpu.vector_store %arg9[%swap3A_286], %add3A_285 {strides = array<i32>} : memref<1152xi32, #tpu.memory_space<vmem>>, vector<16xi32>,
    %add3A_288 = arith.constant 768 : i32
    %add3A_289 = arith.addi %multiple_of3A, %add3A_288 : i32
    %add3A_290 = vector.broadcast %add3A_289 : i32 to vector<16xi32>
    %add3A_291 = arith.addi %iota3A, %add3A_290 : vector<16xi32>
    %swap3A_292 = arith.constant 768 : index
    %swap3A_293 = tpu.vector_load %arg9[%swap3A_292] {strides = array<i32>} : memref<1152xi32, #tpu.memory_space<vmem>>, vector<16xi32>,
    tpu.vector_store %arg9[%swap3A_292], %add3A_291 {strides = array<i32>} : memref<1152xi32, #tpu.memory_space<vmem>>, vector<16xi32>,
    %add3A_294 = arith.constant 784 : i32
    %add3A_295 = arith.addi %multiple_of3A, %add3A_294 : i32
    %add3A_296 = vector.broadcast %add3A_295 : i32 to vector<16xi32>
    %add3A_297 = arith.addi %iota3A, %add3A_296 : vector<16xi32>
    %swap3A_298 = arith.constant 784 : index
    %swap3A_299 = tpu.vector_load %arg9[%swap3A_298] {strides = array<i32>} : memref<1152xi32, #tpu.memory_space<vmem>>, vector<16xi32>,
    tpu.vector_store %arg9[%swap3A_298], %add3A_297 {strides = array<i32>} : memref<1152xi32, #tpu.memory_space<vmem>>, vector<16xi32>,
    %add3A_300 = arith.constant 800 : i32
    %add3A_301 = arith.addi %multiple_of3A, %add3A_300 : i32
    %add3A_302 = vector.broadcast %add3A_301 : i32 to vector<16xi32>
    %add3A_303 = arith.addi %iota3A, %add3A_302 : vector<16xi32>
    %swap3A_304 = arith.constant 800 : index
    %swap3A_305 = tpu.vector_load %arg9[%swap3A_304] {strides = array<i32>} : memref<1152xi32, #tpu.memory_space<vmem>>, vector<16xi32>,
    tpu.vector_store %arg9[%swap3A_304], %add3A_303 {strides = array<i32>} : memref<1152xi32, #tpu.memory_space<vmem>>, vector<16xi32>,
    %add3A_306 = arith.constant 816 : i32
    %add3A_307 = arith.addi %multiple_of3A, %add3A_306 : i32
    %add3A_308 = vector.broadcast %add3A_307 : i32 to vector<16xi32>
    %add3A_309 = arith.addi %iota3A, %add3A_308 : vector<16xi32>
    %swap3A_310 = arith.constant 816 : index
    %swap3A_311 = tpu.vector_load %arg9[%swap3A_310] {strides = array<i32>} : memref<1152xi32, #tpu.memory_space<vmem>>, vector<16xi32>,
    tpu.vector_store %arg9[%swap3A_310], %add3A_309 {strides = array<i32>} : memref<1152xi32, #tpu.memory_space<vmem>>, vector<16xi32>,
    %add3A_312 = arith.constant 832 : i32
    %add3A_313 = arith.addi %multiple_of3A, %add3A_312 : i32
    %add3A_314 = vector.broadcast %add3A_313 : i32 to vector<16xi32>
    %add3A_315 = arith.addi %iota3A, %add3A_314 : vector<16xi32>
    %swap3A_316 = arith.constant 832 : index
    %swap3A_317 = tpu.vector_load %arg9[%swap3A_316] {strides = array<i32>} : memref<1152xi32, #tpu.memory_space<vmem>>, vector<16xi32>,
    tpu.vector_store %arg9[%swap3A_316], %add3A_315 {strides = array<i32>} : memref<1152xi32, #tpu.memory_space<vmem>>, vector<16xi32>,
    %add3A_318 = arith.constant 848 : i32
    %add3A_319 = arith.addi %multiple_of3A, %add3A_318 : i32
    %add3A_320 = vector.broadcast %add3A_319 : i32 to vector<16xi32>
    %add3A_321 = arith.addi %iota3A, %add3A_320 : vector<16xi32>
    %swap3A_322 = arith.constant 848 : index
    %swap3A_323 = tpu.vector_load %arg9[%swap3A_322] {strides = array<i32>} : memref<1152xi32, #tpu.memory_space<vmem>>, vector<16xi32>,
    tpu.vector_store %arg9[%swap3A_322], %add3A_321 {strides = array<i32>} : memref<1152xi32, #tpu.memory_space<vmem>>, vector<16xi32>,
    %add3A_324 = arith.constant 864 : i32
    %add3A_325 = arith.addi %multiple_of3A, %add3A_324 : i32
    %add3A_326 = vector.broadcast %add3A_325 : i32 to vector<16xi32>
    %add3A_327 = arith.addi %iota3A, %add3A_326 : vector<16xi32>
    %swap3A_328 = arith.constant 864 : index
    %swap3A_329 = tpu.vector_load %arg9[%swap3A_328] {strides = array<i32>} : memref<1152xi32, #tpu.memory_space<vmem>>, vector<16xi32>,
    tpu.vector_store %arg9[%swap3A_328], %add3A_327 {strides = array<i32>} : memref<1152xi32, #tpu.memory_space<vmem>>, vector<16xi32>,
    %add3A_330 = arith.constant 880 : i32
    %add3A_331 = arith.addi %multiple_of3A, %add3A_330 : i32
    %add3A_332 = vector.broadcast %add3A_331 : i32 to vector<16xi32>
    %add3A_333 = arith.addi %iota3A, %add3A_332 : vector<16xi32>
    %swap3A_334 = arith.constant 880 : index
    %swap3A_335 = tpu.vector_load %arg9[%swap3A_334] {strides = array<i32>} : memref<1152xi32, #tpu.memory_space<vmem>>, vector<16xi32>,
    tpu.vector_store %arg9[%swap3A_334], %add3A_333 {strides = array<i32>} : memref<1152xi32, #tpu.memory_space<vmem>>, vector<16xi32>,
    %add3A_336 = arith.constant 896 : i32
    %add3A_337 = arith.addi %multiple_of3A, %add3A_336 : i32
    %add3A_338 = vector.broadcast %add3A_337 : i32 to vector<16xi32>
    %add3A_339 = arith.addi %iota3A, %add3A_338 : vector<16xi32>
    %swap3A_340 = arith.constant 896 : index
    %swap3A_341 = tpu.vector_load %arg9[%swap3A_340] {strides = array<i32>} : memref<1152xi32, #tpu.memory_space<vmem>>, vector<16xi32>,
    tpu.vector_store %arg9[%swap3A_340], %add3A_339 {strides = array<i32>} : memref<1152xi32, #tpu.memory_space<vmem>>, vector<16xi32>,
    %add3A_342 = arith.constant 912 : i32
    %add3A_343 = arith.addi %multiple_of3A, %add3A_342 : i32
    %add3A_344 = vector.broadcast %add3A_343 : i32 to vector<16xi32>
    %add3A_345 = arith.addi %iota3A, %add3A_344 : vector<16xi32>
    %swap3A_346 = arith.constant 912 : index
    %swap3A_347 = tpu.vector_load %arg9[%swap3A_346] {strides = array<i32>} : memref<1152xi32, #tpu.memory_space<vmem>>, vector<16xi32>,
    tpu.vector_store %arg9[%swap3A_346], %add3A_345 {strides = array<i32>} : memref<1152xi32, #tpu.memory_space<vmem>>, vector<16xi32>,
    %add3A_348 = arith.constant 928 : i32
    %add3A_349 = arith.addi %multiple_of3A, %add3A_348 : i32
    %add3A_350 = vector.broadcast %add3A_349 : i32 to vector<16xi32>
    %add3A_351 = arith.addi %iota3A, %add3A_350 : vector<16xi32>
    %swap3A_352 = arith.constant 928 : index
    %swap3A_353 = tpu.vector_load %arg9[%swap3A_352] {strides = array<i32>} : memref<1152xi32, #tpu.memory_space<vmem>>, vector<16xi32>,
    tpu.vector_store %arg9[%swap3A_352], %add3A_351 {strides = array<i32>} : memref<1152xi32, #tpu.memory_space<vmem>>, vector<16xi32>,
    %add3A_354 = arith.constant 944 : i32
    %add3A_355 = arith.addi %multiple_of3A, %add3A_354 : i32
    %add3A_356 = vector.broadcast %add3A_355 : i32 to vector<16xi32>
    %add3A_357 = arith.addi %iota3A, %add3A_356 : vector<16xi32>
    %swap3A_358 = arith.constant 944 : index
    %swap3A_359 = tpu.vector_load %arg9[%swap3A_358] {strides = array<i32>} : memref<1152xi32, #tpu.memory_space<vmem>>, vector<16xi32>,
    tpu.vector_store %arg9[%swap3A_358], %add3A_357 {strides = array<i32>} : memref<1152xi32, #tpu.memory_space<vmem>>, vector<16xi32>,
    %add3A_360 = arith.constant 960 : i32
    %add3A_361 = arith.addi %multiple_of3A, %add3A_360 : i32
    %add3A_362 = vector.broadcast %add3A_361 : i32 to vector<16xi32>
    %add3A_363 = arith.addi %iota3A, %add3A_362 : vector<16xi32>
    %swap3A_364 = arith.constant 960 : index
    %swap3A_365 = tpu.vector_load %arg9[%swap3A_364] {strides = array<i32>} : memref<1152xi32, #tpu.memory_space<vmem>>, vector<16xi32>,
    tpu.vector_store %arg9[%swap3A_364], %add3A_363 {strides = array<i32>} : memref<1152xi32, #tpu.memory_space<vmem>>, vector<16xi32>,
    %add3A_366 = arith.constant 976 : i32
    %add3A_367 = arith.addi %multiple_of3A, %add3A_366 : i32
    %add3A_368 = vector.broadcast %add3A_367 : i32 to vector<16xi32>
    %add3A_369 = arith.addi %iota3A, %add3A_368 : vector<16xi32>
    %swap3A_370 = arith.constant 976 : index
    %swap3A_371 = tpu.vector_load %arg9[%swap3A_370] {strides = array<i32>} : memref<1152xi32, #tpu.memory_space<vmem>>, vector<16xi32>,
    tpu.vector_store %arg9[%swap3A_370], %add3A_369 {strides = array<i32>} : memref<1152xi32, #tpu.memory_space<vmem>>, vector<16xi32>,
    %add3A_372 = arith.constant 992 : i32
    %add3A_373 = arith.addi %multiple_of3A, %add3A_372 : i32
    %add3A_374 = vector.broadcast %add3A_373 : i32 to vector<16xi32>
    %add3A_375 = arith.addi %iota3A, %add3A_374 : vector<16xi32>
    %swap3A_376 = arith.constant 992 : index
    %swap3A_377 = tpu.vector_load %arg9[%swap3A_376] {strides = array<i32>} : memref<1152xi32, #tpu.memory_space<vmem>>, vector<16xi32>,
    tpu.vector_store %arg9[%swap3A_376], %add3A_375 {strides = array<i32>} : memref<1152xi32, #tpu.memory_space<vmem>>, vector<16xi32>,
    %add3A_378 = arith.constant 1008 : i32
    %add3A_379 = arith.addi %multiple_of3A, %add3A_378 : i32
    %add3A_380 = vector.broadcast %add3A_379 : i32 to vector<16xi32>
    %add3A_381 = arith.addi %iota3A, %add3A_380 : vector<16xi32>
    %swap3A_382 = arith.constant 1008 : index
    %swap3A_383 = tpu.vector_load %arg9[%swap3A_382] {strides = array<i32>} : memref<1152xi32, #tpu.memory_space<vmem>>, vector<16xi32>,
    tpu.vector_store %arg9[%swap3A_382], %add3A_381 {strides = array<i32>} : memref<1152xi32, #tpu.memory_space<vmem>>, vector<16xi32>,
    %add3A_384 = arith.constant 0 : i32
    %add3A_385 = arith.addi %multiple_of3A, %add3A_384 : i32
    %add3A_386 = vector.broadcast %add3A_385 : i32 to vector<16xi32>
    %add3A_387 = arith.addi %iota3A, %add3A_386 : vector<16xi32>
    %swap3A_388 = arith.constant 1024 : index
    %swap3A_389 = tpu.vector_load %arg9[%swap3A_388] {strides = array<i32>} : memref<1152xi32, #tpu.memory_space<vmem>>, vector<16xi32>,
    tpu.vector_store %arg9[%swap3A_388], %add3A_387 {strides = array<i32>} : memref<1152xi32, #tpu.memory_space<vmem>>, vector<16xi32>,
    %add3A_390 = arith.constant 16 : i32
    %add3A_391 = arith.addi %multiple_of3A, %add3A_390 : i32
    %add3A_392 = vector.broadcast %add3A_391 : i32 to vector<16xi32>
    %add3A_393 = arith.addi %iota3A, %add3A_392 : vector<16xi32>
    %swap3A_394 = arith.constant 1040 : index
    %swap3A_395 = tpu.vector_load %arg9[%swap3A_394] {strides = array<i32>} : memref<1152xi32, #tpu.memory_space<vmem>>, vector<16xi32>,
    tpu.vector_store %arg9[%swap3A_394], %add3A_393 {strides = array<i32>} : memref<1152xi32, #tpu.memory_space<vmem>>, vector<16xi32>,
    %add3A_396 = arith.constant 32 : i32
    %add3A_397 = arith.addi %multiple_of3A, %add3A_396 : i32
    %add3A_398 = vector.broadcast %add3A_397 : i32 to vector<16xi32>
    %add3A_399 = arith.addi %iota3A, %add3A_398 : vector<16xi32>
    %swap3A_400 = arith.constant 1056 : index
    %swap3A_401 = tpu.vector_load %arg9[%swap3A_400] {strides = array<i32>} : memref<1152xi32, #tpu.memory_space<vmem>>, vector<16xi32>,
    tpu.vector_store %arg9[%swap3A_400], %add3A_399 {strides = array<i32>} : memref<1152xi32, #tpu.memory_space<vmem>>, vector<16xi32>,
    %add3A_402 = arith.constant 48 : i32
    %add3A_403 = arith.addi %multiple_of3A, %add3A_402 : i32
    %add3A_404 = vector.broadcast %add3A_403 : i32 to vector<16xi32>
    %add3A_405 = arith.addi %iota3A, %add3A_404 : vector<16xi32>
    %swap3A_406 = arith.constant 1072 : index
    %swap3A_407 = tpu.vector_load %arg9[%swap3A_406] {strides = array<i32>} : memref<1152xi32, #tpu.memory_space<vmem>>, vector<16xi32>,
    tpu.vector_store %arg9[%swap3A_406], %add3A_405 {strides = array<i32>} : memref<1152xi32, #tpu.memory_space<vmem>>, vector<16xi32>,
    %add3A_408 = arith.constant 64 : i32
    %add3A_409 = arith.addi %multiple_of3A, %add3A_408 : i32
    %add3A_410 = vector.broadcast %add3A_409 : i32 to vector<16xi32>
    %add3A_411 = arith.addi %iota3A, %add3A_410 : vector<16xi32>
    %swap3A_412 = arith.constant 1088 : index
    %swap3A_413 = tpu.vector_load %arg9[%swap3A_412] {strides = array<i32>} : memref<1152xi32, #tpu.memory_space<vmem>>, vector<16xi32>,
    tpu.vector_store %arg9[%swap3A_412], %add3A_411 {strides = array<i32>} : memref<1152xi32, #tpu.memory_space<vmem>>, vector<16xi32>,
    %add3A_414 = arith.constant 80 : i32
    %add3A_415 = arith.addi %multiple_of3A, %add3A_414 : i32
    %add3A_416 = vector.broadcast %add3A_415 : i32 to vector<16xi32>
    %add3A_417 = arith.addi %iota3A, %add3A_416 : vector<16xi32>
    %swap3A_418 = arith.constant 1104 : index
    %swap3A_419 = tpu.vector_load %arg9[%swap3A_418] {strides = array<i32>} : memref<1152xi32, #tpu.memory_space<vmem>>, vector<16xi32>,
    tpu.vector_store %arg9[%swap3A_418], %add3A_417 {strides = array<i32>} : memref<1152xi32, #tpu.memory_space<vmem>>, vector<16xi32>,
    %add3A_420 = arith.constant 96 : i32
    %add3A_421 = arith.addi %multiple_of3A, %add3A_420 : i32
    %add3A_422 = vector.broadcast %add3A_421 : i32 to vector<16xi32>
    %add3A_423 = arith.addi %iota3A, %add3A_422 : vector<16xi32>
    %swap3A_424 = arith.constant 1120 : index
    %swap3A_425 = tpu.vector_load %arg9[%swap3A_424] {strides = array<i32>} : memref<1152xi32, #tpu.memory_space<vmem>>, vector<16xi32>,
    tpu.vector_store %arg9[%swap3A_424], %add3A_423 {strides = array<i32>} : memref<1152xi32, #tpu.memory_space<vmem>>, vector<16xi32>,
    %add3A_426 = arith.constant 112 : i32
    %add3A_427 = arith.addi %multiple_of3A, %add3A_426 : i32
    %add3A_428 = vector.broadcast %add3A_427 : i32 to vector<16xi32>
    %add3A_429 = arith.addi %iota3A, %add3A_428 : vector<16xi32>
    %swap3A_430 = arith.constant 1136 : index
    %swap3A_431 = tpu.vector_load %arg9[%swap3A_430] {strides = array<i32>} : memref<1152xi32, #tpu.memory_space<vmem>>, vector<16xi32>,
    tpu.vector_store %arg9[%swap3A_430], %add3A_429 {strides = array<i32>} : memref<1152xi32, #tpu.memory_space<vmem>>, vector<16xi32>,
    %dma_wait3A = tpu.memref_slice %arg2[%multiple_of3A] : memref<16384xi32, #tpu.memory_space<hbm>> -> memref<1024xi32, #tpu.memory_space<hbm>>
    %dma_wait3A_432 = tpu.memref_slice %arg2[%multiple_of3A] : memref<16384xi32, #tpu.memory_space<hbm>> -> memref<1024xi32, #tpu.memory_space<hbm>>
    tpu.wait_dma2 semaphore(%arg16 : memref<!tpu.dma_semaphore, #tpu.memory_space<semaphore_mem>>) src(%dma_wait3A_432 : memref<1024xi32, #tpu.memory_space<hbm>>) dst(%arg7 : memref<1024xi32, #tpu.memory_space<vmem>>)
    tpu.wait_dma2 semaphore(%arg17 : memref<!tpu.dma_semaphore, #tpu.memory_space<semaphore_mem>>) src(%arg4 : memref<16xi32, #tpu.memory_space<hbm>>) dst(%arg8 : memref<16xi32, #tpu.memory_space<vmem>>)
    %get3A = arith.constant 0 : index
    %get3A_433 = tpu.vector_load %arg8[%get3A] {strides = array<i32>} : memref<16xi32, #tpu.memory_space<vmem>>, vector<16xi32>,
    %lt3A = arith.constant 8 : i32
    %lt3A_434 = arith.cmpi slt, %arg1, %lt3A : i32
    %convert_element_type3A = arith.extui %lt3A_434 : i1 to i32
    %cond3A = arith.constant 0 : i32
    %cond3A_435 = arith.cmpi ne, %convert_element_type3A, %cond3A : i32
    scf.if %cond3A_435 {
      %mul3A_531 = arith.constant 16 : i32
      %mul3A_532 = arith.muli %arg1, %mul3A_531 : i32
      %multiple_of3A_533 = tpu.assume_multiple %mul3A_532, 16 : i32
      %dma_start3A_534 = tpu.memref_slice %arg5[%multiple_of3A_533] : memref<128xf32, #tpu.memory_space<hbm>> -> memref<16xf32, #tpu.memory_space<hbm>>
      %dma_start3A_535 = tpu.memref_slice %arg5[%multiple_of3A_533] : memref<128xf32, #tpu.memory_space<hbm>> -> memref<16xf32, #tpu.memory_space<hbm>>
      tpu.enqueue_dma source(%dma_start3A_535 : memref<16xf32, #tpu.memory_space<hbm>>) target(%arg12 : memref<16xf32, #tpu.memory_space<vmem>>) target_semaphore(%arg17 : memref<!tpu.dma_semaphore, #tpu.memory_space<semaphore_mem>>)
    } else {
    }
    %broadcast_in_dim3A = arith.constant 0 : i32
    "tpu.trace_start"() <{level = 10 : i32, message = "p_scan"}> : () -> ()
    %broadcast_in_dim3A_436 = vector.broadcast %broadcast_in_dim3A : i32 to vector<16xi32>
    %parallel_loop3A = arith.constant 0 : i32
    %parallel_loop3A_437 = arith.constant 64 : i32
    %parallel_loop3A_438 = arith.constant 1 : i32
    %parallel_loop3A_439 = scf.for %parallel_loop3A_531 = %parallel_loop3A to %parallel_loop3A_437 step %parallel_loop3A_438 iter_args(%parallel_loop3A_532 = %broadcast_in_dim3A_436) -> (vector<16xi32>)  : i32 {
      %parallel_loop3A_533 = arith.constant 16 : i32
      %parallel_loop3A_534 = arith.muli %parallel_loop3A_531, %parallel_loop3A_533 : i32
      %parallel_loop3A_535 = tpu.assume_multiple %parallel_loop3A_534, 16 : i32
      %parallel_loop3A_536 = arith.index_cast %parallel_loop3A_535 : i32 to index
      %parallel_loop3A_537 = tpu.vector_load %arg7[%parallel_loop3A_536] {strides = array<i32>} : memref<1024xi32, #tpu.memory_space<vmem>>, vector<16xi32>,
      %parallel_loop3A_538 = arith.cmpi eq, %parallel_loop3A_537, %get3A_433 : vector<16xi32>
      %parallel_loop3A_539 = tpu.all_reduce %parallel_loop3A_538 {dim = 0 : i64, kind = #tpu.reduction_kind<sum>} : vector<16xi1> -> vector<16xi32>
      %parallel_loop3A_540 = arith.extui %parallel_loop3A_538 : vector<16xi1> to vector<16xi32>
      %parallel_loop3A_541 = arith.constant true
      %parallel_loop3A_542 = vector.broadcast %parallel_loop3A_541 : i1 to vector<16xi1>
      %parallel_loop3A_543 = tpu.scan <sum>, %parallel_loop3A_540 masked %parallel_loop3A_542 : vector<16xi32>, vector<16xi1> -> vector<16xi32>
      %parallel_loop3A_544 = arith.constant 1 : i32
      %parallel_loop3A_545 = vector.broadcast %parallel_loop3A_544 : i32 to vector<16xi32>
      %parallel_loop3A_546 = arith.subi %parallel_loop3A_532, %parallel_loop3A_545 : vector<16xi32>
      %parallel_loop3A_547 = arith.addi %parallel_loop3A_543, %parallel_loop3A_546 : vector<16xi32>
      %parallel_loop3A_548 = arith.addi %multiple_of3A, %parallel_loop3A_535 : i32
      %parallel_loop3A_549 = vector.broadcast %parallel_loop3A_548 : i32 to vector<16xi32>
      %parallel_loop3A_550 = arith.addi %iota3A, %parallel_loop3A_549 : vector<16xi32>
      tpu.vector_store_idx %arg9[%parallel_loop3A_547], %parallel_loop3A_550 masked %parallel_loop3A_538 : memref<1152xi32, #tpu.memory_space<vmem>>[vector<16xi32>], vector<16xi32>, vector<16xi1>
      %parallel_loop3A_551 = arith.addi %parallel_loop3A_532, %parallel_loop3A_539 : vector<16xi32>
      scf.yield %parallel_loop3A_551 : vector<16xi32>
    } {sc.loop_unroll_factor = 4 : i64, sc.parallel_access}
    %reduce_max3A = arith.constant true
    %reduce_max3A_440 = vector.broadcast %reduce_max3A : i1 to vector<16xi1>
    %reduce_max3A_441 = arith.constant -2147483648 : i32
    %reduce_max3A_442 = vector.broadcast %reduce_max3A_441 : i32 to vector<16xi32>
    %reduce_max3A_443 = arith.xori %parallel_loop3A_439, %reduce_max3A_442 : vector<16xi32>
    %reduce_max3A_444 = tpu.scan <max>, %reduce_max3A_443 masked %reduce_max3A_440 : vector<16xi32>, vector<16xi1> -> vector<16xi32>
    %reduce_max3A_445 = arith.xori %reduce_max3A_444, %reduce_max3A_442 : vector<16xi32>
    %reduce_max3A_446 = vector.extract %reduce_max3A_445[15] : i32 from vector<16xi32>
    "tpu.trace_stop"() : () -> ()
    %add3A_447 = arith.constant 31 : i32
    %add3A_448 = arith.addi %reduce_max3A_446, %add3A_447 : i32
    %jit3A = arith.constant 32 : i32
    %div3A = arith.divsi %add3A_448, %jit3A : i32
    %sign3A = arith.constant 0 : i32
    %sign3A_449 = arith.cmpi sgt, %add3A_448, %sign3A : i32
    %sign3A_450 = arith.extui %sign3A_449 : i1 to i32
    %sign3A_451 = arith.constant 0 : i32
    %sign3A_452 = arith.cmpi slt, %add3A_448, %sign3A_451 : i32
    %sign3A_453 = arith.extui %sign3A_452 : i1 to i32
    %sign3A_454 = arith.subi %sign3A_450, %sign3A_453 : i32
    %sign3A_455 = arith.constant 0 : i32
    %sign3A_456 = arith.cmpi sgt, %jit3A, %sign3A_455 : i32
    %sign3A_457 = arith.extui %sign3A_456 : i1 to i32
    %sign3A_458 = arith.constant 0 : i32
    %sign3A_459 = arith.cmpi slt, %jit3A, %sign3A_458 : i32
    %sign3A_460 = arith.extui %sign3A_459 : i1 to i32
    %sign3A_461 = arith.subi %sign3A_457, %sign3A_460 : i32
    %ne3A = arith.cmpi ne, %sign3A_454, %sign3A_461 : i32
    %rem3A = arith.remsi %add3A_448, %jit3A : i32
    %ne3A_462 = arith.constant 0 : i32
    %ne3A_463 = arith.cmpi ne, %rem3A, %ne3A_462 : i32
    %and3A = arith.andi %ne3A, %ne3A_463 : i1
    %sub3A = arith.constant 1 : i32
    %sub3A_464 = arith.subi %div3A, %sub3A : i32
    %select_n3A = arith.select %and3A, %sub3A_464, %div3A : i32
    %add3A_465 = arith.constant 3 : i32
    %add3A_466 = arith.addi %select_n3A, %add3A_465 : i32
    %jit3A_467 = arith.constant 4 : i32
    %div3A_468 = arith.divsi %add3A_466, %jit3A_467 : i32
    %sign3A_469 = arith.constant 0 : i32
    %sign3A_470 = arith.cmpi sgt, %add3A_466, %sign3A_469 : i32
    %sign3A_471 = arith.extui %sign3A_470 : i1 to i32
    %sign3A_472 = arith.constant 0 : i32
    %sign3A_473 = arith.cmpi slt, %add3A_466, %sign3A_472 : i32
    %sign3A_474 = arith.extui %sign3A_473 : i1 to i32
    %sign3A_475 = arith.subi %sign3A_471, %sign3A_474 : i32
    %sign3A_476 = arith.constant 0 : i32
    %sign3A_477 = arith.cmpi sgt, %jit3A_467, %sign3A_476 : i32
    %sign3A_478 = arith.extui %sign3A_477 : i1 to i32
    %sign3A_479 = arith.constant 0 : i32
    %sign3A_480 = arith.cmpi slt, %jit3A_467, %sign3A_479 : i32
    %sign3A_481 = arith.extui %sign3A_480 : i1 to i32
    %sign3A_482 = arith.subi %sign3A_478, %sign3A_481 : i32
    %ne3A_483 = arith.cmpi ne, %sign3A_475, %sign3A_482 : i32
    %rem3A_484 = arith.remsi %add3A_466, %jit3A_467 : i32
    %ne3A_485 = arith.constant 0 : i32
    %ne3A_486 = arith.cmpi ne, %rem3A_484, %ne3A_485 : i32
    %and3A_487 = arith.andi %ne3A_483, %ne3A_486 : i1
    %sub3A_488 = arith.constant 1 : i32
    %sub3A_489 = arith.subi %div3A_468, %sub3A_488 : i32
    %select_n3A_490 = arith.select %and3A_487, %sub3A_489, %div3A_468 : i32
    %broadcast_in_dim3A_491 = arith.constant 0.000000e+00 : f32
    %broadcast_in_dim3A_492 = vector.broadcast %broadcast_in_dim3A_491 : f32 to vector<16xf32>
    %swap3A_493 = arith.constant 0 : index
    %swap3A_494 = tpu.vector_load %arg11[%swap3A_493] {strides = array<i32>} : memref<144xf32, #tpu.memory_space<vmem>>, vector<16xf32>,
    tpu.vector_store %arg11[%swap3A_493], %broadcast_in_dim3A_492 {strides = array<i32>} : memref<144xf32, #tpu.memory_space<vmem>>, vector<16xf32>,
    %swap3A_495 = arith.constant 16 : index
    %swap3A_496 = tpu.vector_load %arg11[%swap3A_495] {strides = array<i32>} : memref<144xf32, #tpu.memory_space<vmem>>, vector<16xf32>,
    tpu.vector_store %arg11[%swap3A_495], %broadcast_in_dim3A_492 {strides = array<i32>} : memref<144xf32, #tpu.memory_space<vmem>>, vector<16xf32>,
    %swap3A_497 = arith.constant 32 : index
    %swap3A_498 = tpu.vector_load %arg11[%swap3A_497] {strides = array<i32>} : memref<144xf32, #tpu.memory_space<vmem>>, vector<16xf32>,
    tpu.vector_store %arg11[%swap3A_497], %broadcast_in_dim3A_492 {strides = array<i32>} : memref<144xf32, #tpu.memory_space<vmem>>, vector<16xf32>,
    %swap3A_499 = arith.constant 48 : index
    %swap3A_500 = tpu.vector_load %arg11[%swap3A_499] {strides = array<i32>} : memref<144xf32, #tpu.memory_space<vmem>>, vector<16xf32>,
    tpu.vector_store %arg11[%swap3A_499], %broadcast_in_dim3A_492 {strides = array<i32>} : memref<144xf32, #tpu.memory_space<vmem>>, vector<16xf32>,
    %swap3A_501 = arith.constant 64 : index
    %swap3A_502 = tpu.vector_load %arg11[%swap3A_501] {strides = array<i32>} : memref<144xf32, #tpu.memory_space<vmem>>, vector<16xf32>,
    tpu.vector_store %arg11[%swap3A_501], %broadcast_in_dim3A_492 {strides = array<i32>} : memref<144xf32, #tpu.memory_space<vmem>>, vector<16xf32>,
    %swap3A_503 = arith.constant 80 : index
    %swap3A_504 = tpu.vector_load %arg11[%swap3A_503] {strides = array<i32>} : memref<144xf32, #tpu.memory_space<vmem>>, vector<16xf32>,
    tpu.vector_store %arg11[%swap3A_503], %broadcast_in_dim3A_492 {strides = array<i32>} : memref<144xf32, #tpu.memory_space<vmem>>, vector<16xf32>,
    %swap3A_505 = arith.constant 96 : index
    %swap3A_506 = tpu.vector_load %arg11[%swap3A_505] {strides = array<i32>} : memref<144xf32, #tpu.memory_space<vmem>>, vector<16xf32>,
    tpu.vector_store %arg11[%swap3A_505], %broadcast_in_dim3A_492 {strides = array<i32>} : memref<144xf32, #tpu.memory_space<vmem>>, vector<16xf32>,
    %swap3A_507 = arith.constant 112 : index
    %swap3A_508 = tpu.vector_load %arg11[%swap3A_507] {strides = array<i32>} : memref<144xf32, #tpu.memory_space<vmem>>, vector<16xf32>,
    tpu.vector_store %arg11[%swap3A_507], %broadcast_in_dim3A_492 {strides = array<i32>} : memref<144xf32, #tpu.memory_space<vmem>>, vector<16xf32>,
    %while3A = arith.constant 0 : i32
    %while3A_509 = arith.constant 0 : i32
    "tpu.trace_start"() <{level = 10 : i32, message = "p_gather"}> : () -> ()
    %while3A_510 = arith.subi %select_n3A_490, %while3A : i32
    %while3A_511 = arith.addi %while3A, %while3A_510 : i32
    %while3A_512 = arith.constant 1 : i32
    %while3A_513 = arith.divsi %while3A_510, %while3A_512 : i32
    %while3A_514 = arith.muli %while3A_513, %while3A_512 : i32
    %while3A_515 = arith.addi %while3A, %while3A_514 : i32
    %while3A_516 = arith.constant 1 : i32
    %while3A_517 = scf.for %while3A_531 = %while3A to %while3A_515 step %while3A_516 iter_args(%while3A_532 = %while3A_509) -> (i32)  : i32 {
      %mul3A_533 = arith.constant 4 : i32
      %mul3A_534 = arith.muli %while3A_531, %mul3A_533 : i32
      %add3A_535 = arith.constant 0 : i32
      %add3A_536 = arith.addi %mul3A_534, %add3A_535 : i32
      %lt3A_537 = arith.cmpi slt, %add3A_536, %select_n3A : i32
      %convert_element_type3A_538 = arith.extui %lt3A_537 : i1 to i32
      %cond3A_539 = arith.constant 0 : i32
      %cond3A_540 = arith.cmpi ne, %convert_element_type3A_538, %cond3A_539 : i32
      scf.if %cond3A_540 {
        %add3A_608 = arith.constant 0 : i32
        %add3A_609 = arith.addi %mul3A_534, %add3A_608 : i32
        %mul3A_610 = arith.constant 32 : i32
        %mul3A_611 = arith.muli %add3A_609, %mul3A_610 : i32
        %multiple_of3A_612 = tpu.assume_multiple %mul3A_611, 32 : i32
        %dma_start3A_613 = arith.constant 0 : i32
        %dma_start3A_614 = arith.constant 0 : i32
        %dma_start3A_615 = tpu.memref_slice %arg10[%dma_start3A_613, %dma_start3A_614] : memref<128x128xf32, #tpu.memory_space<vmem>> -> memref<32x128xf32, #tpu.memory_space<vmem>>
        %dma_start3A_616 = tpu.memref_slice %arg9[%multiple_of3A_612] : memref<1152xi32, #tpu.memory_space<vmem>> -> memref<32xi32, #tpu.memory_space<vmem>>
        %dma_start3A_617 = arith.constant 0 : i32
        %dma_start3A_618 = arith.constant 0 : i32
        %dma_start3A_619 = tpu.memref_slice %arg3[%dma_start3A_617, %dma_start3A_618] : memref<16384x128xf32, #tpu.memory_space<hbm>> -> memref<16384x128xf32, #tpu.memory_space<hbm>>
        tpu.enqueue_indirect_dma source(%dma_start3A_619 : memref<16384x128xf32, #tpu.memory_space<hbm>>) target(%dma_start3A_615 : memref<32x128xf32, #tpu.memory_space<vmem>>) offsets(%dma_start3A_616 : memref<32xi32, #tpu.memory_space<vmem>>) semaphore(%arg16 : memref<!tpu.dma_semaphore, #tpu.memory_space<semaphore_mem>>)
      } else {
      }
      %add3A_541 = arith.constant 1 : i32
      %add3A_542 = arith.addi %mul3A_534, %add3A_541 : i32
      %lt3A_543 = arith.cmpi slt, %add3A_542, %select_n3A : i32
      %convert_element_type3A_544 = arith.extui %lt3A_543 : i1 to i32
      %cond3A_545 = arith.constant 0 : i32
      %cond3A_546 = arith.cmpi ne, %convert_element_type3A_544, %cond3A_545 : i32
      scf.if %cond3A_546 {
        %add3A_608 = arith.constant 1 : i32
        %add3A_609 = arith.addi %mul3A_534, %add3A_608 : i32
        %mul3A_610 = arith.constant 32 : i32
        %mul3A_611 = arith.muli %add3A_609, %mul3A_610 : i32
        %multiple_of3A_612 = tpu.assume_multiple %mul3A_611, 32 : i32
        %dma_start3A_613 = arith.constant 32 : i32
        %dma_start3A_614 = arith.constant 0 : i32
        %dma_start3A_615 = tpu.memref_slice %arg10[%dma_start3A_613, %dma_start3A_614] : memref<128x128xf32, #tpu.memory_space<vmem>> -> memref<32x128xf32, #tpu.memory_space<vmem>>
        %dma_start3A_616 = tpu.memref_slice %arg9[%multiple_of3A_612] : memref<1152xi32, #tpu.memory_space<vmem>> -> memref<32xi32, #tpu.memory_space<vmem>>
        %dma_start3A_617 = arith.constant 0 : i32
        %dma_start3A_618 = arith.constant 0 : i32
        %dma_start3A_619 = tpu.memref_slice %arg3[%dma_start3A_617, %dma_start3A_618] : memref<16384x128xf32, #tpu.memory_space<hbm>> -> memref<16384x128xf32, #tpu.memory_space<hbm>>
        tpu.enqueue_indirect_dma source(%dma_start3A_619 : memref<16384x128xf32, #tpu.memory_space<hbm>>) target(%dma_start3A_615 : memref<32x128xf32, #tpu.memory_space<vmem>>) offsets(%dma_start3A_616 : memref<32xi32, #tpu.memory_space<vmem>>) semaphore(%arg16 : memref<!tpu.dma_semaphore, #tpu.memory_space<semaphore_mem>>)
      } else {
      }
      %add3A_547 = arith.constant 2 : i32
      %add3A_548 = arith.addi %mul3A_534, %add3A_547 : i32
      %lt3A_549 = arith.cmpi slt, %add3A_548, %select_n3A : i32
      %convert_element_type3A_550 = arith.extui %lt3A_549 : i1 to i32
      %cond3A_551 = arith.constant 0 : i32
      %cond3A_552 = arith.cmpi ne, %convert_element_type3A_550, %cond3A_551 : i32
      scf.if %cond3A_552 {
        %add3A_608 = arith.constant 2 : i32
        %add3A_609 = arith.addi %mul3A_534, %add3A_608 : i32
        %mul3A_610 = arith.constant 32 : i32
        %mul3A_611 = arith.muli %add3A_609, %mul3A_610 : i32
        %multiple_of3A_612 = tpu.assume_multiple %mul3A_611, 32 : i32
        %dma_start3A_613 = arith.constant 64 : i32
        %dma_start3A_614 = arith.constant 0 : i32
        %dma_start3A_615 = tpu.memref_slice %arg10[%dma_start3A_613, %dma_start3A_614] : memref<128x128xf32, #tpu.memory_space<vmem>> -> memref<32x128xf32, #tpu.memory_space<vmem>>
        %dma_start3A_616 = tpu.memref_slice %arg9[%multiple_of3A_612] : memref<1152xi32, #tpu.memory_space<vmem>> -> memref<32xi32, #tpu.memory_space<vmem>>
        %dma_start3A_617 = arith.constant 0 : i32
        %dma_start3A_618 = arith.constant 0 : i32
        %dma_start3A_619 = tpu.memref_slice %arg3[%dma_start3A_617, %dma_start3A_618] : memref<16384x128xf32, #tpu.memory_space<hbm>> -> memref<16384x128xf32, #tpu.memory_space<hbm>>
        tpu.enqueue_indirect_dma source(%dma_start3A_619 : memref<16384x128xf32, #tpu.memory_space<hbm>>) target(%dma_start3A_615 : memref<32x128xf32, #tpu.memory_space<vmem>>) offsets(%dma_start3A_616 : memref<32xi32, #tpu.memory_space<vmem>>) semaphore(%arg16 : memref<!tpu.dma_semaphore, #tpu.memory_space<semaphore_mem>>)
      } else {
      }
      %add3A_553 = arith.constant 3 : i32
      %add3A_554 = arith.addi %mul3A_534, %add3A_553 : i32
      %lt3A_555 = arith.cmpi slt, %add3A_554, %select_n3A : i32
      %convert_element_type3A_556 = arith.extui %lt3A_555 : i1 to i32
      %cond3A_557 = arith.constant 0 : i32
      %cond3A_558 = arith.cmpi ne, %convert_element_type3A_556, %cond3A_557 : i32
      scf.if %cond3A_558 {
        %add3A_608 = arith.constant 3 : i32
        %add3A_609 = arith.addi %mul3A_534, %add3A_608 : i32
        %mul3A_610 = arith.constant 32 : i32
        %mul3A_611 = arith.muli %add3A_609, %mul3A_610 : i32
        %multiple_of3A_612 = tpu.assume_multiple %mul3A_611, 32 : i32
        %dma_start3A_613 = arith.constant 96 : i32
        %dma_start3A_614 = arith.constant 0 : i32
        %dma_start3A_615 = tpu.memref_slice %arg10[%dma_start3A_613, %dma_start3A_614] : memref<128x128xf32, #tpu.memory_space<vmem>> -> memref<32x128xf32, #tpu.memory_space<vmem>>
        %dma_start3A_616 = tpu.memref_slice %arg9[%multiple_of3A_612] : memref<1152xi32, #tpu.memory_space<vmem>> -> memref<32xi32, #tpu.memory_space<vmem>>
        %dma_start3A_617 = arith.constant 0 : i32
        %dma_start3A_618 = arith.constant 0 : i32
        %dma_start3A_619 = tpu.memref_slice %arg3[%dma_start3A_617, %dma_start3A_618] : memref<16384x128xf32, #tpu.memory_space<hbm>> -> memref<16384x128xf32, #tpu.memory_space<hbm>>
        tpu.enqueue_indirect_dma source(%dma_start3A_619 : memref<16384x128xf32, #tpu.memory_space<hbm>>) target(%dma_start3A_615 : memref<32x128xf32, #tpu.memory_space<vmem>>) offsets(%dma_start3A_616 : memref<32xi32, #tpu.memory_space<vmem>>) semaphore(%arg16 : memref<!tpu.dma_semaphore, #tpu.memory_space<semaphore_mem>>)
      } else {
      }
      %add3A_559 = arith.constant 0 : i32
      %add3A_560 = arith.addi %mul3A_534, %add3A_559 : i32
      %lt3A_561 = arith.cmpi slt, %add3A_560, %select_n3A : i32
      %convert_element_type3A_562 = arith.extui %lt3A_561 : i1 to i32
      %cond3A_563 = arith.constant 0 : i32
      %cond3A_564 = arith.cmpi ne, %convert_element_type3A_562, %cond3A_563 : i32
      scf.if %cond3A_564 {
        %dma_wait3A_608 = arith.constant 0 : i32
        %dma_wait3A_609 = arith.constant 0 : i32
        %dma_wait3A_610 = tpu.memref_slice %arg10[%dma_wait3A_608, %dma_wait3A_609] : memref<128x128xf32, #tpu.memory_space<vmem>> -> memref<32x128xf32, #tpu.memory_space<vmem>>
        %dma_wait3A_611 = arith.constant 0 : i32
        %dma_wait3A_612 = arith.constant 0 : i32
        %dma_wait3A_613 = tpu.memref_slice %arg3[%dma_wait3A_611, %dma_wait3A_612] : memref<16384x128xf32, #tpu.memory_space<hbm>> -> memref<32x128xf32, #tpu.memory_space<hbm>>
        %dma_wait3A_614 = arith.constant 0 : i32
        %dma_wait3A_615 = arith.constant 0 : i32
        %dma_wait3A_616 = tpu.memref_slice %arg10[%dma_wait3A_614, %dma_wait3A_615] : memref<128x128xf32, #tpu.memory_space<vmem>> -> memref<32x128xf32, #tpu.memory_space<vmem>>
        %dma_wait3A_617 = arith.constant 0 : i32
        %dma_wait3A_618 = arith.constant 0 : i32
        %dma_wait3A_619 = tpu.memref_slice %arg3[%dma_wait3A_617, %dma_wait3A_618] : memref<16384x128xf32, #tpu.memory_space<hbm>> -> memref<32x128xf32, #tpu.memory_space<hbm>>
        tpu.wait_dma2 semaphore(%arg16 : memref<!tpu.dma_semaphore, #tpu.memory_space<semaphore_mem>>) src(%dma_wait3A_619 : memref<32x128xf32, #tpu.memory_space<hbm>>) dst(%dma_wait3A_616 : memref<32x128xf32, #tpu.memory_space<vmem>>)
      } else {
      }
      %add3A_565 = arith.constant 1 : i32
      %add3A_566 = arith.addi %mul3A_534, %add3A_565 : i32
      %lt3A_567 = arith.cmpi slt, %add3A_566, %select_n3A : i32
      %convert_element_type3A_568 = arith.extui %lt3A_567 : i1 to i32
      %cond3A_569 = arith.constant 0 : i32
      %cond3A_570 = arith.cmpi ne, %convert_element_type3A_568, %cond3A_569 : i32
      scf.if %cond3A_570 {
        %dma_wait3A_608 = arith.constant 32 : i32
        %dma_wait3A_609 = arith.constant 0 : i32
        %dma_wait3A_610 = tpu.memref_slice %arg10[%dma_wait3A_608, %dma_wait3A_609] : memref<128x128xf32, #tpu.memory_space<vmem>> -> memref<32x128xf32, #tpu.memory_space<vmem>>
        %dma_wait3A_611 = arith.constant 0 : i32
        %dma_wait3A_612 = arith.constant 0 : i32
        %dma_wait3A_613 = tpu.memref_slice %arg3[%dma_wait3A_611, %dma_wait3A_612] : memref<16384x128xf32, #tpu.memory_space<hbm>> -> memref<32x128xf32, #tpu.memory_space<hbm>>
        %dma_wait3A_614 = arith.constant 32 : i32
        %dma_wait3A_615 = arith.constant 0 : i32
        %dma_wait3A_616 = tpu.memref_slice %arg10[%dma_wait3A_614, %dma_wait3A_615] : memref<128x128xf32, #tpu.memory_space<vmem>> -> memref<32x128xf32, #tpu.memory_space<vmem>>
        %dma_wait3A_617 = arith.constant 0 : i32
        %dma_wait3A_618 = arith.constant 0 : i32
        %dma_wait3A_619 = tpu.memref_slice %arg3[%dma_wait3A_617, %dma_wait3A_618] : memref<16384x128xf32, #tpu.memory_space<hbm>> -> memref<32x128xf32, #tpu.memory_space<hbm>>
        tpu.wait_dma2 semaphore(%arg16 : memref<!tpu.dma_semaphore, #tpu.memory_space<semaphore_mem>>) src(%dma_wait3A_619 : memref<32x128xf32, #tpu.memory_space<hbm>>) dst(%dma_wait3A_616 : memref<32x128xf32, #tpu.memory_space<vmem>>)
      } else {
      }
      %add3A_571 = arith.constant 2 : i32
      %add3A_572 = arith.addi %mul3A_534, %add3A_571 : i32
      %lt3A_573 = arith.cmpi slt, %add3A_572, %select_n3A : i32
      %convert_element_type3A_574 = arith.extui %lt3A_573 : i1 to i32
      %cond3A_575 = arith.constant 0 : i32
      %cond3A_576 = arith.cmpi ne, %convert_element_type3A_574, %cond3A_575 : i32
      scf.if %cond3A_576 {
        %dma_wait3A_608 = arith.constant 64 : i32
        %dma_wait3A_609 = arith.constant 0 : i32
        %dma_wait3A_610 = tpu.memref_slice %arg10[%dma_wait3A_608, %dma_wait3A_609] : memref<128x128xf32, #tpu.memory_space<vmem>> -> memref<32x128xf32, #tpu.memory_space<vmem>>
        %dma_wait3A_611 = arith.constant 0 : i32
        %dma_wait3A_612 = arith.constant 0 : i32
        %dma_wait3A_613 = tpu.memref_slice %arg3[%dma_wait3A_611, %dma_wait3A_612] : memref<16384x128xf32, #tpu.memory_space<hbm>> -> memref<32x128xf32, #tpu.memory_space<hbm>>
        %dma_wait3A_614 = arith.constant 64 : i32
        %dma_wait3A_615 = arith.constant 0 : i32
        %dma_wait3A_616 = tpu.memref_slice %arg10[%dma_wait3A_614, %dma_wait3A_615] : memref<128x128xf32, #tpu.memory_space<vmem>> -> memref<32x128xf32, #tpu.memory_space<vmem>>
        %dma_wait3A_617 = arith.constant 0 : i32
        %dma_wait3A_618 = arith.constant 0 : i32
        %dma_wait3A_619 = tpu.memref_slice %arg3[%dma_wait3A_617, %dma_wait3A_618] : memref<16384x128xf32, #tpu.memory_space<hbm>> -> memref<32x128xf32, #tpu.memory_space<hbm>>
        tpu.wait_dma2 semaphore(%arg16 : memref<!tpu.dma_semaphore, #tpu.memory_space<semaphore_mem>>) src(%dma_wait3A_619 : memref<32x128xf32, #tpu.memory_space<hbm>>) dst(%dma_wait3A_616 : memref<32x128xf32, #tpu.memory_space<vmem>>)
      } else {
      }
      %add3A_577 = arith.constant 3 : i32
      %add3A_578 = arith.addi %mul3A_534, %add3A_577 : i32
      %lt3A_579 = arith.cmpi slt, %add3A_578, %select_n3A : i32
      %convert_element_type3A_580 = arith.extui %lt3A_579 : i1 to i32
      %cond3A_581 = arith.constant 0 : i32
      %cond3A_582 = arith.cmpi ne, %convert_element_type3A_580, %cond3A_581 : i32
      scf.if %cond3A_582 {
        %dma_wait3A_608 = arith.constant 96 : i32
        %dma_wait3A_609 = arith.constant 0 : i32
        %dma_wait3A_610 = tpu.memref_slice %arg10[%dma_wait3A_608, %dma_wait3A_609] : memref<128x128xf32, #tpu.memory_space<vmem>> -> memref<32x128xf32, #tpu.memory_space<vmem>>
        %dma_wait3A_611 = arith.constant 0 : i32
        %dma_wait3A_612 = arith.constant 0 : i32
        %dma_wait3A_613 = tpu.memref_slice %arg3[%dma_wait3A_611, %dma_wait3A_612] : memref<16384x128xf32, #tpu.memory_space<hbm>> -> memref<32x128xf32, #tpu.memory_space<hbm>>
        %dma_wait3A_614 = arith.constant 96 : i32
        %dma_wait3A_615 = arith.constant 0 : i32
        %dma_wait3A_616 = tpu.memref_slice %arg10[%dma_wait3A_614, %dma_wait3A_615] : memref<128x128xf32, #tpu.memory_space<vmem>> -> memref<32x128xf32, #tpu.memory_space<vmem>>
        %dma_wait3A_617 = arith.constant 0 : i32
        %dma_wait3A_618 = arith.constant 0 : i32
        %dma_wait3A_619 = tpu.memref_slice %arg3[%dma_wait3A_617, %dma_wait3A_618] : memref<16384x128xf32, #tpu.memory_space<hbm>> -> memref<32x128xf32, #tpu.memory_space<hbm>>
        tpu.wait_dma2 semaphore(%arg16 : memref<!tpu.dma_semaphore, #tpu.memory_space<semaphore_mem>>) src(%dma_wait3A_619 : memref<32x128xf32, #tpu.memory_space<hbm>>) dst(%dma_wait3A_616 : memref<32x128xf32, #tpu.memory_space<vmem>>)
      } else {
      }
      %mul3A_583 = arith.constant 128 : i32
      %mul3A_584 = arith.muli %while3A_531, %mul3A_583 : i32
      %sub3A_585 = arith.subi %reduce_max3A_446, %mul3A_584 : i32
      %broadcast_in_dim3A_586 = vector.broadcast %sub3A_585 : i32 to vector<16xi32>
      %parallel_loop3A_587 = arith.constant 0 : i32
      %parallel_loop3A_588 = arith.constant 128 : i32
      %parallel_loop3A_589 = arith.constant 1 : i32
      %parallel_loop3A_590:8 = scf.for %parallel_loop3A_608 = %parallel_loop3A_587 to %parallel_loop3A_588 step %parallel_loop3A_589 iter_args(%parallel_loop3A_609 = %broadcast_in_dim3A_492, %parallel_loop3A_610 = %broadcast_in_dim3A_492, %parallel_loop3A_611 = %broadcast_in_dim3A_492, %parallel_loop3A_612 = %broadcast_in_dim3A_492, %parallel_loop3A_613 = %broadcast_in_dim3A_492, %parallel_loop3A_614 = %broadcast_in_dim3A_492, %parallel_loop3A_615 = %broadcast_in_dim3A_492, %parallel_loop3A_616 = %broadcast_in_dim3A_492) -> (vector<16xf32>, vector<16xf32>, vector<16xf32>, vector<16xf32>, vector<16xf32>, vector<16xf32>, vector<16xf32>, vector<16xf32>)  : i32 {
        %parallel_loop3A_617 = vector.broadcast %parallel_loop3A_608 : i32 to vector<16xi32>
        %parallel_loop3A_618 = arith.cmpi slt, %parallel_loop3A_617, %broadcast_in_dim3A_586 : vector<16xi32>
        %parallel_loop3A_619 = arith.index_cast %parallel_loop3A_608 : i32 to index
        %parallel_loop3A_620 = arith.constant 0 : index
        %parallel_loop3A_621 = tpu.vector_load %arg10[%parallel_loop3A_619, %parallel_loop3A_620] {strides = array<i32>} : memref<128x128xf32, #tpu.memory_space<vmem>>, vector<16xf32>,
        %parallel_loop3A_622 = arith.constant 0.000000e+00 : f32
        %parallel_loop3A_623 = vector.broadcast %parallel_loop3A_622 : f32 to vector<16xf32>
        %parallel_loop3A_624 = arith.select %parallel_loop3A_618, %parallel_loop3A_621, %parallel_loop3A_623 : vector<16xi1>, vector<16xf32>
        %parallel_loop3A_625 = arith.addf %parallel_loop3A_609, %parallel_loop3A_624 : vector<16xf32>
        %parallel_loop3A_626 = arith.index_cast %parallel_loop3A_608 : i32 to index
        %parallel_loop3A_627 = arith.constant 16 : index
        %parallel_loop3A_628 = tpu.vector_load %arg10[%parallel_loop3A_626, %parallel_loop3A_627] {strides = array<i32>} : memref<128x128xf32, #tpu.memory_space<vmem>>, vector<16xf32>,
        %parallel_loop3A_629 = arith.constant 0.000000e+00 : f32
        %parallel_loop3A_630 = vector.broadcast %parallel_loop3A_629 : f32 to vector<16xf32>
        %parallel_loop3A_631 = arith.select %parallel_loop3A_618, %parallel_loop3A_628, %parallel_loop3A_630 : vector<16xi1>, vector<16xf32>
        %parallel_loop3A_632 = arith.addf %parallel_loop3A_610, %parallel_loop3A_631 : vector<16xf32>
        %parallel_loop3A_633 = arith.index_cast %parallel_loop3A_608 : i32 to index
        %parallel_loop3A_634 = arith.constant 32 : index
        %parallel_loop3A_635 = tpu.vector_load %arg10[%parallel_loop3A_633, %parallel_loop3A_634] {strides = array<i32>} : memref<128x128xf32, #tpu.memory_space<vmem>>, vector<16xf32>,
        %parallel_loop3A_636 = arith.constant 0.000000e+00 : f32
        %parallel_loop3A_637 = vector.broadcast %parallel_loop3A_636 : f32 to vector<16xf32>
        %parallel_loop3A_638 = arith.select %parallel_loop3A_618, %parallel_loop3A_635, %parallel_loop3A_637 : vector<16xi1>, vector<16xf32>
        %parallel_loop3A_639 = arith.addf %parallel_loop3A_611, %parallel_loop3A_638 : vector<16xf32>
        %parallel_loop3A_640 = arith.index_cast %parallel_loop3A_608 : i32 to index
        %parallel_loop3A_641 = arith.constant 48 : index
        %parallel_loop3A_642 = tpu.vector_load %arg10[%parallel_loop3A_640, %parallel_loop3A_641] {strides = array<i32>} : memref<128x128xf32, #tpu.memory_space<vmem>>, vector<16xf32>,
        %parallel_loop3A_643 = arith.constant 0.000000e+00 : f32
        %parallel_loop3A_644 = vector.broadcast %parallel_loop3A_643 : f32 to vector<16xf32>
        %parallel_loop3A_645 = arith.select %parallel_loop3A_618, %parallel_loop3A_642, %parallel_loop3A_644 : vector<16xi1>, vector<16xf32>
        %parallel_loop3A_646 = arith.addf %parallel_loop3A_612, %parallel_loop3A_645 : vector<16xf32>
        %parallel_loop3A_647 = arith.index_cast %parallel_loop3A_608 : i32 to index
        %parallel_loop3A_648 = arith.constant 64 : index
        %parallel_loop3A_649 = tpu.vector_load %arg10[%parallel_loop3A_647, %parallel_loop3A_648] {strides = array<i32>} : memref<128x128xf32, #tpu.memory_space<vmem>>, vector<16xf32>,
        %parallel_loop3A_650 = arith.constant 0.000000e+00 : f32
        %parallel_loop3A_651 = vector.broadcast %parallel_loop3A_650 : f32 to vector<16xf32>
        %parallel_loop3A_652 = arith.select %parallel_loop3A_618, %parallel_loop3A_649, %parallel_loop3A_651 : vector<16xi1>, vector<16xf32>
        %parallel_loop3A_653 = arith.addf %parallel_loop3A_613, %parallel_loop3A_652 : vector<16xf32>
        %parallel_loop3A_654 = arith.index_cast %parallel_loop3A_608 : i32 to index
        %parallel_loop3A_655 = arith.constant 80 : index
        %parallel_loop3A_656 = tpu.vector_load %arg10[%parallel_loop3A_654, %parallel_loop3A_655] {strides = array<i32>} : memref<128x128xf32, #tpu.memory_space<vmem>>, vector<16xf32>,
        %parallel_loop3A_657 = arith.constant 0.000000e+00 : f32
        %parallel_loop3A_658 = vector.broadcast %parallel_loop3A_657 : f32 to vector<16xf32>
        %parallel_loop3A_659 = arith.select %parallel_loop3A_618, %parallel_loop3A_656, %parallel_loop3A_658 : vector<16xi1>, vector<16xf32>
        %parallel_loop3A_660 = arith.addf %parallel_loop3A_614, %parallel_loop3A_659 : vector<16xf32>
        %parallel_loop3A_661 = arith.index_cast %parallel_loop3A_608 : i32 to index
        %parallel_loop3A_662 = arith.constant 96 : index
        %parallel_loop3A_663 = tpu.vector_load %arg10[%parallel_loop3A_661, %parallel_loop3A_662] {strides = array<i32>} : memref<128x128xf32, #tpu.memory_space<vmem>>, vector<16xf32>,
        %parallel_loop3A_664 = arith.constant 0.000000e+00 : f32
        %parallel_loop3A_665 = vector.broadcast %parallel_loop3A_664 : f32 to vector<16xf32>
        %parallel_loop3A_666 = arith.select %parallel_loop3A_618, %parallel_loop3A_663, %parallel_loop3A_665 : vector<16xi1>, vector<16xf32>
        %parallel_loop3A_667 = arith.addf %parallel_loop3A_615, %parallel_loop3A_666 : vector<16xf32>
        %parallel_loop3A_668 = arith.index_cast %parallel_loop3A_608 : i32 to index
        %parallel_loop3A_669 = arith.constant 112 : index
        %parallel_loop3A_670 = tpu.vector_load %arg10[%parallel_loop3A_668, %parallel_loop3A_669] {strides = array<i32>} : memref<128x128xf32, #tpu.memory_space<vmem>>, vector<16xf32>,
        %parallel_loop3A_671 = arith.constant 0.000000e+00 : f32
        %parallel_loop3A_672 = vector.broadcast %parallel_loop3A_671 : f32 to vector<16xf32>
        %parallel_loop3A_673 = arith.select %parallel_loop3A_618, %parallel_loop3A_670, %parallel_loop3A_672 : vector<16xi1>, vector<16xf32>
        %parallel_loop3A_674 = arith.addf %parallel_loop3A_616, %parallel_loop3A_673 : vector<16xf32>
        scf.yield %parallel_loop3A_625, %parallel_loop3A_632, %parallel_loop3A_639, %parallel_loop3A_646, %parallel_loop3A_653, %parallel_loop3A_660, %parallel_loop3A_667, %parallel_loop3A_674 : vector<16xf32>, vector<16xf32>, vector<16xf32>, vector<16xf32>, vector<16xf32>, vector<16xf32>, vector<16xf32>, vector<16xf32>
      } {sc.loop_unroll_factor = 8 : i64, sc.parallel_access}
      %swap3A_591 = arith.constant 0 : index
      %swap3A_592 = tpu.vector_load %arg11[%swap3A_591] {strides = array<i32>} : memref<144xf32, #tpu.memory_space<vmem>>, vector<16xf32>,
      tpu.vector_store %arg11[%swap3A_591], %parallel_loop3A_590#0 {add = true, strides = array<i32>} : memref<144xf32, #tpu.memory_space<vmem>>, vector<16xf32>,
      %swap3A_593 = arith.constant 16 : index
      %swap3A_594 = tpu.vector_load %arg11[%swap3A_593] {strides = array<i32>} : memref<144xf32, #tpu.memory_space<vmem>>, vector<16xf32>,
      tpu.vector_store %arg11[%swap3A_593], %parallel_loop3A_590#1 {add = true, strides = array<i32>} : memref<144xf32, #tpu.memory_space<vmem>>, vector<16xf32>,
      %swap3A_595 = arith.constant 32 : index
      %swap3A_596 = tpu.vector_load %arg11[%swap3A_595] {strides = array<i32>} : memref<144xf32, #tpu.memory_space<vmem>>, vector<16xf32>,
      tpu.vector_store %arg11[%swap3A_595], %parallel_loop3A_590#2 {add = true, strides = array<i32>} : memref<144xf32, #tpu.memory_space<vmem>>, vector<16xf32>,
      %swap3A_597 = arith.constant 48 : index
      %swap3A_598 = tpu.vector_load %arg11[%swap3A_597] {strides = array<i32>} : memref<144xf32, #tpu.memory_space<vmem>>, vector<16xf32>,
      tpu.vector_store %arg11[%swap3A_597], %parallel_loop3A_590#3 {add = true, strides = array<i32>} : memref<144xf32, #tpu.memory_space<vmem>>, vector<16xf32>,
      %swap3A_599 = arith.constant 64 : index
      %swap3A_600 = tpu.vector_load %arg11[%swap3A_599] {strides = array<i32>} : memref<144xf32, #tpu.memory_space<vmem>>, vector<16xf32>,
      tpu.vector_store %arg11[%swap3A_599], %parallel_loop3A_590#4 {add = true, strides = array<i32>} : memref<144xf32, #tpu.memory_space<vmem>>, vector<16xf32>,
      %swap3A_601 = arith.constant 80 : index
      %swap3A_602 = tpu.vector_load %arg11[%swap3A_601] {strides = array<i32>} : memref<144xf32, #tpu.memory_space<vmem>>, vector<16xf32>,
      tpu.vector_store %arg11[%swap3A_601], %parallel_loop3A_590#5 {add = true, strides = array<i32>} : memref<144xf32, #tpu.memory_space<vmem>>, vector<16xf32>,
      %swap3A_603 = arith.constant 96 : index
      %swap3A_604 = tpu.vector_load %arg11[%swap3A_603] {strides = array<i32>} : memref<144xf32, #tpu.memory_space<vmem>>, vector<16xf32>,
      tpu.vector_store %arg11[%swap3A_603], %parallel_loop3A_590#6 {add = true, strides = array<i32>} : memref<144xf32, #tpu.memory_space<vmem>>, vector<16xf32>,
      %swap3A_605 = arith.constant 112 : index
      %swap3A_606 = tpu.vector_load %arg11[%swap3A_605] {strides = array<i32>} : memref<144xf32, #tpu.memory_space<vmem>>, vector<16xf32>,
      tpu.vector_store %arg11[%swap3A_605], %parallel_loop3A_590#7 {add = true, strides = array<i32>} : memref<144xf32, #tpu.memory_space<vmem>>, vector<16xf32>,
      %while3A_607 = arith.constant 0 : i32
      scf.yield %while3A_607 : i32
    }
    %while3A_518 = arith.constant 1 : i32
    %while3A_519 = scf.for %while3A_531 = %while3A_515 to %while3A_511 step %while3A_518 iter_args(%while3A_532 = %while3A_517) -> (i32)  : i32 {
      %mul3A_533 = arith.constant 4 : i32
      %mul3A_534 = arith.muli %while3A_531, %mul3A_533 : i32
      %add3A_535 = arith.constant 0 : i32
      %add3A_536 = arith.addi %mul3A_534, %add3A_535 : i32
      %lt3A_537 = arith.cmpi slt, %add3A_536, %select_n3A : i32
      %convert_element_type3A_538 = arith.extui %lt3A_537 : i1 to i32
      %cond3A_539 = arith.constant 0 : i32
      %cond3A_540 = arith.cmpi ne, %convert_element_type3A_538, %cond3A_539 : i32
      scf.if %cond3A_540 {
        %add3A_608 = arith.constant 0 : i32
        %add3A_609 = arith.addi %mul3A_534, %add3A_608 : i32
        %mul3A_610 = arith.constant 32 : i32
        %mul3A_611 = arith.muli %add3A_609, %mul3A_610 : i32
        %multiple_of3A_612 = tpu.assume_multiple %mul3A_611, 32 : i32
        %dma_start3A_613 = arith.constant 0 : i32
        %dma_start3A_614 = arith.constant 0 : i32
        %dma_start3A_615 = tpu.memref_slice %arg10[%dma_start3A_613, %dma_start3A_614] : memref<128x128xf32, #tpu.memory_space<vmem>> -> memref<32x128xf32, #tpu.memory_space<vmem>>
        %dma_start3A_616 = tpu.memref_slice %arg9[%multiple_of3A_612] : memref<1152xi32, #tpu.memory_space<vmem>> -> memref<32xi32, #tpu.memory_space<vmem>>
        %dma_start3A_617 = arith.constant 0 : i32
        %dma_start3A_618 = arith.constant 0 : i32
        %dma_start3A_619 = tpu.memref_slice %arg3[%dma_start3A_617, %dma_start3A_618] : memref<16384x128xf32, #tpu.memory_space<hbm>> -> memref<16384x128xf32, #tpu.memory_space<hbm>>
        tpu.enqueue_indirect_dma source(%dma_start3A_619 : memref<16384x128xf32, #tpu.memory_space<hbm>>) target(%dma_start3A_615 : memref<32x128xf32, #tpu.memory_space<vmem>>) offsets(%dma_start3A_616 : memref<32xi32, #tpu.memory_space<vmem>>) semaphore(%arg16 : memref<!tpu.dma_semaphore, #tpu.memory_space<semaphore_mem>>)
      } else {
      }
      %add3A_541 = arith.constant 1 : i32
      %add3A_542 = arith.addi %mul3A_534, %add3A_541 : i32
      %lt3A_543 = arith.cmpi slt, %add3A_542, %select_n3A : i32
      %convert_element_type3A_544 = arith.extui %lt3A_543 : i1 to i32
      %cond3A_545 = arith.constant 0 : i32
      %cond3A_546 = arith.cmpi ne, %convert_element_type3A_544, %cond3A_545 : i32
      scf.if %cond3A_546 {
        %add3A_608 = arith.constant 1 : i32
        %add3A_609 = arith.addi %mul3A_534, %add3A_608 : i32
        %mul3A_610 = arith.constant 32 : i32
        %mul3A_611 = arith.muli %add3A_609, %mul3A_610 : i32
        %multiple_of3A_612 = tpu.assume_multiple %mul3A_611, 32 : i32
        %dma_start3A_613 = arith.constant 32 : i32
        %dma_start3A_614 = arith.constant 0 : i32
        %dma_start3A_615 = tpu.memref_slice %arg10[%dma_start3A_613, %dma_start3A_614] : memref<128x128xf32, #tpu.memory_space<vmem>> -> memref<32x128xf32, #tpu.memory_space<vmem>>
        %dma_start3A_616 = tpu.memref_slice %arg9[%multiple_of3A_612] : memref<1152xi32, #tpu.memory_space<vmem>> -> memref<32xi32, #tpu.memory_space<vmem>>
        %dma_start3A_617 = arith.constant 0 : i32
        %dma_start3A_618 = arith.constant 0 : i32
        %dma_start3A_619 = tpu.memref_slice %arg3[%dma_start3A_617, %dma_start3A_618] : memref<16384x128xf32, #tpu.memory_space<hbm>> -> memref<16384x128xf32, #tpu.memory_space<hbm>>
        tpu.enqueue_indirect_dma source(%dma_start3A_619 : memref<16384x128xf32, #tpu.memory_space<hbm>>) target(%dma_start3A_615 : memref<32x128xf32, #tpu.memory_space<vmem>>) offsets(%dma_start3A_616 : memref<32xi32, #tpu.memory_space<vmem>>) semaphore(%arg16 : memref<!tpu.dma_semaphore, #tpu.memory_space<semaphore_mem>>)
      } else {
      }
      %add3A_547 = arith.constant 2 : i32
      %add3A_548 = arith.addi %mul3A_534, %add3A_547 : i32
      %lt3A_549 = arith.cmpi slt, %add3A_548, %select_n3A : i32
      %convert_element_type3A_550 = arith.extui %lt3A_549 : i1 to i32
      %cond3A_551 = arith.constant 0 : i32
      %cond3A_552 = arith.cmpi ne, %convert_element_type3A_550, %cond3A_551 : i32
      scf.if %cond3A_552 {
        %add3A_608 = arith.constant 2 : i32
        %add3A_609 = arith.addi %mul3A_534, %add3A_608 : i32
        %mul3A_610 = arith.constant 32 : i32
        %mul3A_611 = arith.muli %add3A_609, %mul3A_610 : i32
        %multiple_of3A_612 = tpu.assume_multiple %mul3A_611, 32 : i32
        %dma_start3A_613 = arith.constant 64 : i32
        %dma_start3A_614 = arith.constant 0 : i32
        %dma_start3A_615 = tpu.memref_slice %arg10[%dma_start3A_613, %dma_start3A_614] : memref<128x128xf32, #tpu.memory_space<vmem>> -> memref<32x128xf32, #tpu.memory_space<vmem>>
        %dma_start3A_616 = tpu.memref_slice %arg9[%multiple_of3A_612] : memref<1152xi32, #tpu.memory_space<vmem>> -> memref<32xi32, #tpu.memory_space<vmem>>
        %dma_start3A_617 = arith.constant 0 : i32
        %dma_start3A_618 = arith.constant 0 : i32
        %dma_start3A_619 = tpu.memref_slice %arg3[%dma_start3A_617, %dma_start3A_618] : memref<16384x128xf32, #tpu.memory_space<hbm>> -> memref<16384x128xf32, #tpu.memory_space<hbm>>
        tpu.enqueue_indirect_dma source(%dma_start3A_619 : memref<16384x128xf32, #tpu.memory_space<hbm>>) target(%dma_start3A_615 : memref<32x128xf32, #tpu.memory_space<vmem>>) offsets(%dma_start3A_616 : memref<32xi32, #tpu.memory_space<vmem>>) semaphore(%arg16 : memref<!tpu.dma_semaphore, #tpu.memory_space<semaphore_mem>>)
      } else {
      }
      %add3A_553 = arith.constant 3 : i32
      %add3A_554 = arith.addi %mul3A_534, %add3A_553 : i32
      %lt3A_555 = arith.cmpi slt, %add3A_554, %select_n3A : i32
      %convert_element_type3A_556 = arith.extui %lt3A_555 : i1 to i32
      %cond3A_557 = arith.constant 0 : i32
      %cond3A_558 = arith.cmpi ne, %convert_element_type3A_556, %cond3A_557 : i32
      scf.if %cond3A_558 {
        %add3A_608 = arith.constant 3 : i32
        %add3A_609 = arith.addi %mul3A_534, %add3A_608 : i32
        %mul3A_610 = arith.constant 32 : i32
        %mul3A_611 = arith.muli %add3A_609, %mul3A_610 : i32
        %multiple_of3A_612 = tpu.assume_multiple %mul3A_611, 32 : i32
        %dma_start3A_613 = arith.constant 96 : i32
        %dma_start3A_614 = arith.constant 0 : i32
        %dma_start3A_615 = tpu.memref_slice %arg10[%dma_start3A_613, %dma_start3A_614] : memref<128x128xf32, #tpu.memory_space<vmem>> -> memref<32x128xf32, #tpu.memory_space<vmem>>
        %dma_start3A_616 = tpu.memref_slice %arg9[%multiple_of3A_612] : memref<1152xi32, #tpu.memory_space<vmem>> -> memref<32xi32, #tpu.memory_space<vmem>>
        %dma_start3A_617 = arith.constant 0 : i32
        %dma_start3A_618 = arith.constant 0 : i32
        %dma_start3A_619 = tpu.memref_slice %arg3[%dma_start3A_617, %dma_start3A_618] : memref<16384x128xf32, #tpu.memory_space<hbm>> -> memref<16384x128xf32, #tpu.memory_space<hbm>>
        tpu.enqueue_indirect_dma source(%dma_start3A_619 : memref<16384x128xf32, #tpu.memory_space<hbm>>) target(%dma_start3A_615 : memref<32x128xf32, #tpu.memory_space<vmem>>) offsets(%dma_start3A_616 : memref<32xi32, #tpu.memory_space<vmem>>) semaphore(%arg16 : memref<!tpu.dma_semaphore, #tpu.memory_space<semaphore_mem>>)
      } else {
      }
      %add3A_559 = arith.constant 0 : i32
      %add3A_560 = arith.addi %mul3A_534, %add3A_559 : i32
      %lt3A_561 = arith.cmpi slt, %add3A_560, %select_n3A : i32
      %convert_element_type3A_562 = arith.extui %lt3A_561 : i1 to i32
      %cond3A_563 = arith.constant 0 : i32
      %cond3A_564 = arith.cmpi ne, %convert_element_type3A_562, %cond3A_563 : i32
      scf.if %cond3A_564 {
        %dma_wait3A_608 = arith.constant 0 : i32
        %dma_wait3A_609 = arith.constant 0 : i32
        %dma_wait3A_610 = tpu.memref_slice %arg10[%dma_wait3A_608, %dma_wait3A_609] : memref<128x128xf32, #tpu.memory_space<vmem>> -> memref<32x128xf32, #tpu.memory_space<vmem>>
        %dma_wait3A_611 = arith.constant 0 : i32
        %dma_wait3A_612 = arith.constant 0 : i32
        %dma_wait3A_613 = tpu.memref_slice %arg3[%dma_wait3A_611, %dma_wait3A_612] : memref<16384x128xf32, #tpu.memory_space<hbm>> -> memref<32x128xf32, #tpu.memory_space<hbm>>
        %dma_wait3A_614 = arith.constant 0 : i32
        %dma_wait3A_615 = arith.constant 0 : i32
        %dma_wait3A_616 = tpu.memref_slice %arg10[%dma_wait3A_614, %dma_wait3A_615] : memref<128x128xf32, #tpu.memory_space<vmem>> -> memref<32x128xf32, #tpu.memory_space<vmem>>
        %dma_wait3A_617 = arith.constant 0 : i32
        %dma_wait3A_618 = arith.constant 0 : i32
        %dma_wait3A_619 = tpu.memref_slice %arg3[%dma_wait3A_617, %dma_wait3A_618] : memref<16384x128xf32, #tpu.memory_space<hbm>> -> memref<32x128xf32, #tpu.memory_space<hbm>>
        tpu.wait_dma2 semaphore(%arg16 : memref<!tpu.dma_semaphore, #tpu.memory_space<semaphore_mem>>) src(%dma_wait3A_619 : memref<32x128xf32, #tpu.memory_space<hbm>>) dst(%dma_wait3A_616 : memref<32x128xf32, #tpu.memory_space<vmem>>)
      } else {
      }
      %add3A_565 = arith.constant 1 : i32
      %add3A_566 = arith.addi %mul3A_534, %add3A_565 : i32
      %lt3A_567 = arith.cmpi slt, %add3A_566, %select_n3A : i32
      %convert_element_type3A_568 = arith.extui %lt3A_567 : i1 to i32
      %cond3A_569 = arith.constant 0 : i32
      %cond3A_570 = arith.cmpi ne, %convert_element_type3A_568, %cond3A_569 : i32
      scf.if %cond3A_570 {
        %dma_wait3A_608 = arith.constant 32 : i32
        %dma_wait3A_609 = arith.constant 0 : i32
        %dma_wait3A_610 = tpu.memref_slice %arg10[%dma_wait3A_608, %dma_wait3A_609] : memref<128x128xf32, #tpu.memory_space<vmem>> -> memref<32x128xf32, #tpu.memory_space<vmem>>
        %dma_wait3A_611 = arith.constant 0 : i32
        %dma_wait3A_612 = arith.constant 0 : i32
        %dma_wait3A_613 = tpu.memref_slice %arg3[%dma_wait3A_611, %dma_wait3A_612] : memref<16384x128xf32, #tpu.memory_space<hbm>> -> memref<32x128xf32, #tpu.memory_space<hbm>>
        %dma_wait3A_614 = arith.constant 32 : i32
        %dma_wait3A_615 = arith.constant 0 : i32
        %dma_wait3A_616 = tpu.memref_slice %arg10[%dma_wait3A_614, %dma_wait3A_615] : memref<128x128xf32, #tpu.memory_space<vmem>> -> memref<32x128xf32, #tpu.memory_space<vmem>>
        %dma_wait3A_617 = arith.constant 0 : i32
        %dma_wait3A_618 = arith.constant 0 : i32
        %dma_wait3A_619 = tpu.memref_slice %arg3[%dma_wait3A_617, %dma_wait3A_618] : memref<16384x128xf32, #tpu.memory_space<hbm>> -> memref<32x128xf32, #tpu.memory_space<hbm>>
        tpu.wait_dma2 semaphore(%arg16 : memref<!tpu.dma_semaphore, #tpu.memory_space<semaphore_mem>>) src(%dma_wait3A_619 : memref<32x128xf32, #tpu.memory_space<hbm>>) dst(%dma_wait3A_616 : memref<32x128xf32, #tpu.memory_space<vmem>>)
      } else {
      }
      %add3A_571 = arith.constant 2 : i32
      %add3A_572 = arith.addi %mul3A_534, %add3A_571 : i32
      %lt3A_573 = arith.cmpi slt, %add3A_572, %select_n3A : i32
      %convert_element_type3A_574 = arith.extui %lt3A_573 : i1 to i32
      %cond3A_575 = arith.constant 0 : i32
      %cond3A_576 = arith.cmpi ne, %convert_element_type3A_574, %cond3A_575 : i32
      scf.if %cond3A_576 {
        %dma_wait3A_608 = arith.constant 64 : i32
        %dma_wait3A_609 = arith.constant 0 : i32
        %dma_wait3A_610 = tpu.memref_slice %arg10[%dma_wait3A_608, %dma_wait3A_609] : memref<128x128xf32, #tpu.memory_space<vmem>> -> memref<32x128xf32, #tpu.memory_space<vmem>>
        %dma_wait3A_611 = arith.constant 0 : i32
        %dma_wait3A_612 = arith.constant 0 : i32
        %dma_wait3A_613 = tpu.memref_slice %arg3[%dma_wait3A_611, %dma_wait3A_612] : memref<16384x128xf32, #tpu.memory_space<hbm>> -> memref<32x128xf32, #tpu.memory_space<hbm>>
        %dma_wait3A_614 = arith.constant 64 : i32
        %dma_wait3A_615 = arith.constant 0 : i32
        %dma_wait3A_616 = tpu.memref_slice %arg10[%dma_wait3A_614, %dma_wait3A_615] : memref<128x128xf32, #tpu.memory_space<vmem>> -> memref<32x128xf32, #tpu.memory_space<vmem>>
        %dma_wait3A_617 = arith.constant 0 : i32
        %dma_wait3A_618 = arith.constant 0 : i32
        %dma_wait3A_619 = tpu.memref_slice %arg3[%dma_wait3A_617, %dma_wait3A_618] : memref<16384x128xf32, #tpu.memory_space<hbm>> -> memref<32x128xf32, #tpu.memory_space<hbm>>
        tpu.wait_dma2 semaphore(%arg16 : memref<!tpu.dma_semaphore, #tpu.memory_space<semaphore_mem>>) src(%dma_wait3A_619 : memref<32x128xf32, #tpu.memory_space<hbm>>) dst(%dma_wait3A_616 : memref<32x128xf32, #tpu.memory_space<vmem>>)
      } else {
      }
      %add3A_577 = arith.constant 3 : i32
      %add3A_578 = arith.addi %mul3A_534, %add3A_577 : i32
      %lt3A_579 = arith.cmpi slt, %add3A_578, %select_n3A : i32
      %convert_element_type3A_580 = arith.extui %lt3A_579 : i1 to i32
      %cond3A_581 = arith.constant 0 : i32
      %cond3A_582 = arith.cmpi ne, %convert_element_type3A_580, %cond3A_581 : i32
      scf.if %cond3A_582 {
        %dma_wait3A_608 = arith.constant 96 : i32
        %dma_wait3A_609 = arith.constant 0 : i32
        %dma_wait3A_610 = tpu.memref_slice %arg10[%dma_wait3A_608, %dma_wait3A_609] : memref<128x128xf32, #tpu.memory_space<vmem>> -> memref<32x128xf32, #tpu.memory_space<vmem>>
        %dma_wait3A_611 = arith.constant 0 : i32
        %dma_wait3A_612 = arith.constant 0 : i32
        %dma_wait3A_613 = tpu.memref_slice %arg3[%dma_wait3A_611, %dma_wait3A_612] : memref<16384x128xf32, #tpu.memory_space<hbm>> -> memref<32x128xf32, #tpu.memory_space<hbm>>
        %dma_wait3A_614 = arith.constant 96 : i32
        %dma_wait3A_615 = arith.constant 0 : i32
        %dma_wait3A_616 = tpu.memref_slice %arg10[%dma_wait3A_614, %dma_wait3A_615] : memref<128x128xf32, #tpu.memory_space<vmem>> -> memref<32x128xf32, #tpu.memory_space<vmem>>
        %dma_wait3A_617 = arith.constant 0 : i32
        %dma_wait3A_618 = arith.constant 0 : i32
        %dma_wait3A_619 = tpu.memref_slice %arg3[%dma_wait3A_617, %dma_wait3A_618] : memref<16384x128xf32, #tpu.memory_space<hbm>> -> memref<32x128xf32, #tpu.memory_space<hbm>>
        tpu.wait_dma2 semaphore(%arg16 : memref<!tpu.dma_semaphore, #tpu.memory_space<semaphore_mem>>) src(%dma_wait3A_619 : memref<32x128xf32, #tpu.memory_space<hbm>>) dst(%dma_wait3A_616 : memref<32x128xf32, #tpu.memory_space<vmem>>)
      } else {
      }
      %mul3A_583 = arith.constant 128 : i32
      %mul3A_584 = arith.muli %while3A_531, %mul3A_583 : i32
      %sub3A_585 = arith.subi %reduce_max3A_446, %mul3A_584 : i32
      %broadcast_in_dim3A_586 = vector.broadcast %sub3A_585 : i32 to vector<16xi32>
      %parallel_loop3A_587 = arith.constant 0 : i32
      %parallel_loop3A_588 = arith.constant 128 : i32
      %parallel_loop3A_589 = arith.constant 1 : i32
      %parallel_loop3A_590:8 = scf.for %parallel_loop3A_608 = %parallel_loop3A_587 to %parallel_loop3A_588 step %parallel_loop3A_589 iter_args(%parallel_loop3A_609 = %broadcast_in_dim3A_492, %parallel_loop3A_610 = %broadcast_in_dim3A_492, %parallel_loop3A_611 = %broadcast_in_dim3A_492, %parallel_loop3A_612 = %broadcast_in_dim3A_492, %parallel_loop3A_613 = %broadcast_in_dim3A_492, %parallel_loop3A_614 = %broadcast_in_dim3A_492, %parallel_loop3A_615 = %broadcast_in_dim3A_492, %parallel_loop3A_616 = %broadcast_in_dim3A_492) -> (vector<16xf32>, vector<16xf32>, vector<16xf32>, vector<16xf32>, vector<16xf32>, vector<16xf32>, vector<16xf32>, vector<16xf32>)  : i32 {
        %parallel_loop3A_617 = vector.broadcast %parallel_loop3A_608 : i32 to vector<16xi32>
        %parallel_loop3A_618 = arith.cmpi slt, %parallel_loop3A_617, %broadcast_in_dim3A_586 : vector<16xi32>
        %parallel_loop3A_619 = arith.index_cast %parallel_loop3A_608 : i32 to index
        %parallel_loop3A_620 = arith.constant 0 : index
        %parallel_loop3A_621 = tpu.vector_load %arg10[%parallel_loop3A_619, %parallel_loop3A_620] {strides = array<i32>} : memref<128x128xf32, #tpu.memory_space<vmem>>, vector<16xf32>,
        %parallel_loop3A_622 = arith.constant 0.000000e+00 : f32
        %parallel_loop3A_623 = vector.broadcast %parallel_loop3A_622 : f32 to vector<16xf32>
        %parallel_loop3A_624 = arith.select %parallel_loop3A_618, %parallel_loop3A_621, %parallel_loop3A_623 : vector<16xi1>, vector<16xf32>
        %parallel_loop3A_625 = arith.addf %parallel_loop3A_609, %parallel_loop3A_624 : vector<16xf32>
        %parallel_loop3A_626 = arith.index_cast %parallel_loop3A_608 : i32 to index
        %parallel_loop3A_627 = arith.constant 16 : index
        %parallel_loop3A_628 = tpu.vector_load %arg10[%parallel_loop3A_626, %parallel_loop3A_627] {strides = array<i32>} : memref<128x128xf32, #tpu.memory_space<vmem>>, vector<16xf32>,
        %parallel_loop3A_629 = arith.constant 0.000000e+00 : f32
        %parallel_loop3A_630 = vector.broadcast %parallel_loop3A_629 : f32 to vector<16xf32>
        %parallel_loop3A_631 = arith.select %parallel_loop3A_618, %parallel_loop3A_628, %parallel_loop3A_630 : vector<16xi1>, vector<16xf32>
        %parallel_loop3A_632 = arith.addf %parallel_loop3A_610, %parallel_loop3A_631 : vector<16xf32>
        %parallel_loop3A_633 = arith.index_cast %parallel_loop3A_608 : i32 to index
        %parallel_loop3A_634 = arith.constant 32 : index
        %parallel_loop3A_635 = tpu.vector_load %arg10[%parallel_loop3A_633, %parallel_loop3A_634] {strides = array<i32>} : memref<128x128xf32, #tpu.memory_space<vmem>>, vector<16xf32>,
        %parallel_loop3A_636 = arith.constant 0.000000e+00 : f32
        %parallel_loop3A_637 = vector.broadcast %parallel_loop3A_636 : f32 to vector<16xf32>
        %parallel_loop3A_638 = arith.select %parallel_loop3A_618, %parallel_loop3A_635, %parallel_loop3A_637 : vector<16xi1>, vector<16xf32>
        %parallel_loop3A_639 = arith.addf %parallel_loop3A_611, %parallel_loop3A_638 : vector<16xf32>
        %parallel_loop3A_640 = arith.index_cast %parallel_loop3A_608 : i32 to index
        %parallel_loop3A_641 = arith.constant 48 : index
        %parallel_loop3A_642 = tpu.vector_load %arg10[%parallel_loop3A_640, %parallel_loop3A_641] {strides = array<i32>} : memref<128x128xf32, #tpu.memory_space<vmem>>, vector<16xf32>,
        %parallel_loop3A_643 = arith.constant 0.000000e+00 : f32
        %parallel_loop3A_644 = vector.broadcast %parallel_loop3A_643 : f32 to vector<16xf32>
        %parallel_loop3A_645 = arith.select %parallel_loop3A_618, %parallel_loop3A_642, %parallel_loop3A_644 : vector<16xi1>, vector<16xf32>
        %parallel_loop3A_646 = arith.addf %parallel_loop3A_612, %parallel_loop3A_645 : vector<16xf32>
        %parallel_loop3A_647 = arith.index_cast %parallel_loop3A_608 : i32 to index
        %parallel_loop3A_648 = arith.constant 64 : index
        %parallel_loop3A_649 = tpu.vector_load %arg10[%parallel_loop3A_647, %parallel_loop3A_648] {strides = array<i32>} : memref<128x128xf32, #tpu.memory_space<vmem>>, vector<16xf32>,
        %parallel_loop3A_650 = arith.constant 0.000000e+00 : f32
        %parallel_loop3A_651 = vector.broadcast %parallel_loop3A_650 : f32 to vector<16xf32>
        %parallel_loop3A_652 = arith.select %parallel_loop3A_618, %parallel_loop3A_649, %parallel_loop3A_651 : vector<16xi1>, vector<16xf32>
        %parallel_loop3A_653 = arith.addf %parallel_loop3A_613, %parallel_loop3A_652 : vector<16xf32>
        %parallel_loop3A_654 = arith.index_cast %parallel_loop3A_608 : i32 to index
        %parallel_loop3A_655 = arith.constant 80 : index
        %parallel_loop3A_656 = tpu.vector_load %arg10[%parallel_loop3A_654, %parallel_loop3A_655] {strides = array<i32>} : memref<128x128xf32, #tpu.memory_space<vmem>>, vector<16xf32>,
        %parallel_loop3A_657 = arith.constant 0.000000e+00 : f32
        %parallel_loop3A_658 = vector.broadcast %parallel_loop3A_657 : f32 to vector<16xf32>
        %parallel_loop3A_659 = arith.select %parallel_loop3A_618, %parallel_loop3A_656, %parallel_loop3A_658 : vector<16xi1>, vector<16xf32>
        %parallel_loop3A_660 = arith.addf %parallel_loop3A_614, %parallel_loop3A_659 : vector<16xf32>
        %parallel_loop3A_661 = arith.index_cast %parallel_loop3A_608 : i32 to index
        %parallel_loop3A_662 = arith.constant 96 : index
        %parallel_loop3A_663 = tpu.vector_load %arg10[%parallel_loop3A_661, %parallel_loop3A_662] {strides = array<i32>} : memref<128x128xf32, #tpu.memory_space<vmem>>, vector<16xf32>,
        %parallel_loop3A_664 = arith.constant 0.000000e+00 : f32
        %parallel_loop3A_665 = vector.broadcast %parallel_loop3A_664 : f32 to vector<16xf32>
        %parallel_loop3A_666 = arith.select %parallel_loop3A_618, %parallel_loop3A_663, %parallel_loop3A_665 : vector<16xi1>, vector<16xf32>
        %parallel_loop3A_667 = arith.addf %parallel_loop3A_615, %parallel_loop3A_666 : vector<16xf32>
        %parallel_loop3A_668 = arith.index_cast %parallel_loop3A_608 : i32 to index
        %parallel_loop3A_669 = arith.constant 112 : index
        %parallel_loop3A_670 = tpu.vector_load %arg10[%parallel_loop3A_668, %parallel_loop3A_669] {strides = array<i32>} : memref<128x128xf32, #tpu.memory_space<vmem>>, vector<16xf32>,
        %parallel_loop3A_671 = arith.constant 0.000000e+00 : f32
        %parallel_loop3A_672 = vector.broadcast %parallel_loop3A_671 : f32 to vector<16xf32>
        %parallel_loop3A_673 = arith.select %parallel_loop3A_618, %parallel_loop3A_670, %parallel_loop3A_672 : vector<16xi1>, vector<16xf32>
        %parallel_loop3A_674 = arith.addf %parallel_loop3A_616, %parallel_loop3A_673 : vector<16xf32>
        scf.yield %parallel_loop3A_625, %parallel_loop3A_632, %parallel_loop3A_639, %parallel_loop3A_646, %parallel_loop3A_653, %parallel_loop3A_660, %parallel_loop3A_667, %parallel_loop3A_674 : vector<16xf32>, vector<16xf32>, vector<16xf32>, vector<16xf32>, vector<16xf32>, vector<16xf32>, vector<16xf32>, vector<16xf32>
      } {sc.loop_unroll_factor = 8 : i64, sc.parallel_access}
      %swap3A_591 = arith.constant 0 : index
      %swap3A_592 = tpu.vector_load %arg11[%swap3A_591] {strides = array<i32>} : memref<144xf32, #tpu.memory_space<vmem>>, vector<16xf32>,
      tpu.vector_store %arg11[%swap3A_591], %parallel_loop3A_590#0 {add = true, strides = array<i32>} : memref<144xf32, #tpu.memory_space<vmem>>, vector<16xf32>,
      %swap3A_593 = arith.constant 16 : index
      %swap3A_594 = tpu.vector_load %arg11[%swap3A_593] {strides = array<i32>} : memref<144xf32, #tpu.memory_space<vmem>>, vector<16xf32>,
      tpu.vector_store %arg11[%swap3A_593], %parallel_loop3A_590#1 {add = true, strides = array<i32>} : memref<144xf32, #tpu.memory_space<vmem>>, vector<16xf32>,
      %swap3A_595 = arith.constant 32 : index
      %swap3A_596 = tpu.vector_load %arg11[%swap3A_595] {strides = array<i32>} : memref<144xf32, #tpu.memory_space<vmem>>, vector<16xf32>,
      tpu.vector_store %arg11[%swap3A_595], %parallel_loop3A_590#2 {add = true, strides = array<i32>} : memref<144xf32, #tpu.memory_space<vmem>>, vector<16xf32>,
      %swap3A_597 = arith.constant 48 : index
      %swap3A_598 = tpu.vector_load %arg11[%swap3A_597] {strides = array<i32>} : memref<144xf32, #tpu.memory_space<vmem>>, vector<16xf32>,
      tpu.vector_store %arg11[%swap3A_597], %parallel_loop3A_590#3 {add = true, strides = array<i32>} : memref<144xf32, #tpu.memory_space<vmem>>, vector<16xf32>,
      %swap3A_599 = arith.constant 64 : index
      %swap3A_600 = tpu.vector_load %arg11[%swap3A_599] {strides = array<i32>} : memref<144xf32, #tpu.memory_space<vmem>>, vector<16xf32>,
      tpu.vector_store %arg11[%swap3A_599], %parallel_loop3A_590#4 {add = true, strides = array<i32>} : memref<144xf32, #tpu.memory_space<vmem>>, vector<16xf32>,
      %swap3A_601 = arith.constant 80 : index
      %swap3A_602 = tpu.vector_load %arg11[%swap3A_601] {strides = array<i32>} : memref<144xf32, #tpu.memory_space<vmem>>, vector<16xf32>,
      tpu.vector_store %arg11[%swap3A_601], %parallel_loop3A_590#5 {add = true, strides = array<i32>} : memref<144xf32, #tpu.memory_space<vmem>>, vector<16xf32>,
      %swap3A_603 = arith.constant 96 : index
      %swap3A_604 = tpu.vector_load %arg11[%swap3A_603] {strides = array<i32>} : memref<144xf32, #tpu.memory_space<vmem>>, vector<16xf32>,
      tpu.vector_store %arg11[%swap3A_603], %parallel_loop3A_590#6 {add = true, strides = array<i32>} : memref<144xf32, #tpu.memory_space<vmem>>, vector<16xf32>,
      %swap3A_605 = arith.constant 112 : index
      %swap3A_606 = tpu.vector_load %arg11[%swap3A_605] {strides = array<i32>} : memref<144xf32, #tpu.memory_space<vmem>>, vector<16xf32>,
      tpu.vector_store %arg11[%swap3A_605], %parallel_loop3A_590#7 {add = true, strides = array<i32>} : memref<144xf32, #tpu.memory_space<vmem>>, vector<16xf32>,
      %while3A_607 = arith.constant 0 : i32
      scf.yield %while3A_607 : i32
    }
    "tpu.trace_stop"() : () -> ()
    "tpu.trace_start"() <{level = 10 : i32, message = "p_pub"}> : () -> ()
    %convert_element_type3A_520 = arith.sitofp %parallel_loop3A_439 : vector<16xi32> to vector<16xf32>
    %swap3A_521 = arith.constant 128 : index
    %swap3A_522 = tpu.vector_load %arg11[%swap3A_521] {strides = array<i32>} : memref<144xf32, #tpu.memory_space<vmem>>, vector<16xf32>,
    tpu.vector_store %arg11[%swap3A_521], %convert_element_type3A_520 {strides = array<i32>} : memref<144xf32, #tpu.memory_space<vmem>>, vector<16xf32>,
    %mul3A_523 = arith.constant 144 : i32
    %mul3A_524 = arith.muli %arg1, %mul3A_523 : i32
    %multiple_of3A_525 = tpu.assume_multiple %mul3A_524, 144 : i32
    "tpu.region"() ({
      %run_scoped3A = tpu.sem_alloc : memref<!tpu.dma_semaphore, #tpu.memory_space<semaphore_mem>>
      %dma_start3A_531 = tpu.memref_slice %arg15[%multiple_of3A_525] : memref<2304xf32, #tpu.memory_space<vmem_shared>> -> memref<144xf32, #tpu.memory_space<vmem_shared>>
      %dma_start3A_532 = tpu.memref_slice %arg15[%multiple_of3A_525] : memref<2304xf32, #tpu.memory_space<vmem_shared>> -> memref<144xf32, #tpu.memory_space<vmem_shared>>
      tpu.enqueue_dma source(%arg11 : memref<144xf32, #tpu.memory_space<vmem>>) target(%dma_start3A_532 : memref<144xf32, #tpu.memory_space<vmem_shared>>) target_semaphore(%run_scoped3A : memref<!tpu.dma_semaphore, #tpu.memory_space<semaphore_mem>>)
      %dma_wait3A_533 = tpu.memref_slice %arg15[%multiple_of3A_525] : memref<2304xf32, #tpu.memory_space<vmem_shared>> -> memref<144xf32, #tpu.memory_space<vmem_shared>>
      %dma_wait3A_534 = tpu.memref_slice %arg15[%multiple_of3A_525] : memref<2304xf32, #tpu.memory_space<vmem_shared>> -> memref<144xf32, #tpu.memory_space<vmem_shared>>
      tpu.wait_dma2 semaphore(%run_scoped3A : memref<!tpu.dma_semaphore, #tpu.memory_space<semaphore_mem>>) src(%arg11 : memref<144xf32, #tpu.memory_space<vmem>>) dst(%dma_wait3A_534 : memref<144xf32, #tpu.memory_space<vmem_shared>>)
      tpu.yield
    }) : () -> ()
    %barrier3A = arith.constant 0 : index
    tpu.barrier barrier_id(%barrier3A)
    %lt3A_526 = arith.constant 8 : i32
    "tpu.trace_stop"() : () -> ()
    %lt3A_527 = arith.cmpi slt, %arg1, %lt3A_526 : i32
    %convert_element_type3A_528 = arith.extui %lt3A_527 : i1 to i32
    %cond3A_529 = arith.constant 0 : i32
    %cond3A_530 = arith.cmpi ne, %convert_element_type3A_528, %cond3A_529 : i32
    scf.if %cond3A_530 {
      tpu.enqueue_dma source(%arg15 : memref<2304xf32, #tpu.memory_space<vmem_shared>>) target(%arg14 : memref<2304xf32, #tpu.memory_space<vmem>>) target_semaphore(%arg16 : memref<!tpu.dma_semaphore, #tpu.memory_space<semaphore_mem>>)
      %mul3A_531 = arith.constant 16 : i32
      %mul3A_532 = arith.muli %arg1, %mul3A_531 : i32
      %multiple_of3A_533 = tpu.assume_multiple %mul3A_532, 16 : i32
      %dma_wait3A_534 = tpu.memref_slice %arg5[%multiple_of3A_533] : memref<128xf32, #tpu.memory_space<hbm>> -> memref<16xf32, #tpu.memory_space<hbm>>
      %dma_wait3A_535 = tpu.memref_slice %arg5[%multiple_of3A_533] : memref<128xf32, #tpu.memory_space<hbm>> -> memref<16xf32, #tpu.memory_space<hbm>>
      tpu.wait_dma2 semaphore(%arg17 : memref<!tpu.dma_semaphore, #tpu.memory_space<semaphore_mem>>) src(%dma_wait3A_535 : memref<16xf32, #tpu.memory_space<hbm>>) dst(%arg12 : memref<16xf32, #tpu.memory_space<vmem>>)
      tpu.wait_dma2 semaphore(%arg16 : memref<!tpu.dma_semaphore, #tpu.memory_space<semaphore_mem>>) src(%arg15 : memref<2304xf32, #tpu.memory_space<vmem_shared>>) dst(%arg14 : memref<2304xf32, #tpu.memory_space<vmem>>)
      %get3A_536 = arith.constant 128 : index
      %get3A_537 = tpu.vector_load %arg14[%get3A_536] {strides = array<i32>} : memref<2304xf32, #tpu.memory_space<vmem>>, vector<16xf32>,
      %get3A_538 = arith.index_cast %multiple_of3A_533 : i32 to index
      %get3A_539 = tpu.vector_load %arg14[%get3A_538] {strides = array<i32>} : memref<2304xf32, #tpu.memory_space<vmem>>, vector<16xf32>,
      %get3A_540 = arith.constant 272 : index
      %get3A_541 = tpu.vector_load %arg14[%get3A_540] {strides = array<i32>} : memref<2304xf32, #tpu.memory_space<vmem>>, vector<16xf32>,
      %add3A_542 = arith.addf %get3A_537, %get3A_541 : vector<16xf32>
      %add3A_543 = arith.constant 144 : i32
      %add3A_544 = arith.addi %add3A_543, %multiple_of3A_533 : i32
      %get3A_545 = arith.index_cast %add3A_544 : i32 to index
      %get3A_546 = tpu.vector_load %arg14[%get3A_545] {strides = array<i32>} : memref<2304xf32, #tpu.memory_space<vmem>>, vector<16xf32>,
      %add3A_547 = arith.addf %get3A_539, %get3A_546 : vector<16xf32>
      %get3A_548 = arith.constant 416 : index
      %get3A_549 = tpu.vector_load %arg14[%get3A_548] {strides = array<i32>} : memref<2304xf32, #tpu.memory_space<vmem>>, vector<16xf32>,
      %add3A_550 = arith.addf %add3A_542, %get3A_549 : vector<16xf32>
      %add3A_551 = arith.constant 288 : i32
      %add3A_552 = arith.addi %add3A_551, %multiple_of3A_533 : i32
      %get3A_553 = arith.index_cast %add3A_552 : i32 to index
      %get3A_554 = tpu.vector_load %arg14[%get3A_553] {strides = array<i32>} : memref<2304xf32, #tpu.memory_space<vmem>>, vector<16xf32>,
      %add3A_555 = arith.addf %add3A_547, %get3A_554 : vector<16xf32>
      %get3A_556 = arith.constant 560 : index
      %get3A_557 = tpu.vector_load %arg14[%get3A_556] {strides = array<i32>} : memref<2304xf32, #tpu.memory_space<vmem>>, vector<16xf32>,
      %add3A_558 = arith.addf %add3A_550, %get3A_557 : vector<16xf32>
      %add3A_559 = arith.constant 432 : i32
      %add3A_560 = arith.addi %add3A_559, %multiple_of3A_533 : i32
      %get3A_561 = arith.index_cast %add3A_560 : i32 to index
      %get3A_562 = tpu.vector_load %arg14[%get3A_561] {strides = array<i32>} : memref<2304xf32, #tpu.memory_space<vmem>>, vector<16xf32>,
      %add3A_563 = arith.addf %add3A_555, %get3A_562 : vector<16xf32>
      %get3A_564 = arith.constant 704 : index
      %get3A_565 = tpu.vector_load %arg14[%get3A_564] {strides = array<i32>} : memref<2304xf32, #tpu.memory_space<vmem>>, vector<16xf32>,
      %add3A_566 = arith.addf %add3A_558, %get3A_565 : vector<16xf32>
      %add3A_567 = arith.constant 576 : i32
      %add3A_568 = arith.addi %add3A_567, %multiple_of3A_533 : i32
      %get3A_569 = arith.index_cast %add3A_568 : i32 to index
      %get3A_570 = tpu.vector_load %arg14[%get3A_569] {strides = array<i32>} : memref<2304xf32, #tpu.memory_space<vmem>>, vector<16xf32>,
      %add3A_571 = arith.addf %add3A_563, %get3A_570 : vector<16xf32>
      %get3A_572 = arith.constant 848 : index
      %get3A_573 = tpu.vector_load %arg14[%get3A_572] {strides = array<i32>} : memref<2304xf32, #tpu.memory_space<vmem>>, vector<16xf32>,
      %add3A_574 = arith.addf %add3A_566, %get3A_573 : vector<16xf32>
      %add3A_575 = arith.constant 720 : i32
      %add3A_576 = arith.addi %add3A_575, %multiple_of3A_533 : i32
      %get3A_577 = arith.index_cast %add3A_576 : i32 to index
      %get3A_578 = tpu.vector_load %arg14[%get3A_577] {strides = array<i32>} : memref<2304xf32, #tpu.memory_space<vmem>>, vector<16xf32>,
      %add3A_579 = arith.addf %add3A_571, %get3A_578 : vector<16xf32>
      %get3A_580 = arith.constant 992 : index
      %get3A_581 = tpu.vector_load %arg14[%get3A_580] {strides = array<i32>} : memref<2304xf32, #tpu.memory_space<vmem>>, vector<16xf32>,
      %add3A_582 = arith.addf %add3A_574, %get3A_581 : vector<16xf32>
      %add3A_583 = arith.constant 864 : i32
      %add3A_584 = arith.addi %add3A_583, %multiple_of3A_533 : i32
      %get3A_585 = arith.index_cast %add3A_584 : i32 to index
      %get3A_586 = tpu.vector_load %arg14[%get3A_585] {strides = array<i32>} : memref<2304xf32, #tpu.memory_space<vmem>>, vector<16xf32>,
      %add3A_587 = arith.addf %add3A_579, %get3A_586 : vector<16xf32>
      %get3A_588 = arith.constant 1136 : index
      %get3A_589 = tpu.vector_load %arg14[%get3A_588] {strides = array<i32>} : memref<2304xf32, #tpu.memory_space<vmem>>, vector<16xf32>,
      %add3A_590 = arith.addf %add3A_582, %get3A_589 : vector<16xf32>
      %add3A_591 = arith.constant 1008 : i32
      %add3A_592 = arith.addi %add3A_591, %multiple_of3A_533 : i32
      %get3A_593 = arith.index_cast %add3A_592 : i32 to index
      %get3A_594 = tpu.vector_load %arg14[%get3A_593] {strides = array<i32>} : memref<2304xf32, #tpu.memory_space<vmem>>, vector<16xf32>,
      %add3A_595 = arith.addf %add3A_587, %get3A_594 : vector<16xf32>
      %get3A_596 = arith.constant 1280 : index
      %get3A_597 = tpu.vector_load %arg14[%get3A_596] {strides = array<i32>} : memref<2304xf32, #tpu.memory_space<vmem>>, vector<16xf32>,
      %add3A_598 = arith.addf %add3A_590, %get3A_597 : vector<16xf32>
      %add3A_599 = arith.constant 1152 : i32
      %add3A_600 = arith.addi %add3A_599, %multiple_of3A_533 : i32
      %get3A_601 = arith.index_cast %add3A_600 : i32 to index
      %get3A_602 = tpu.vector_load %arg14[%get3A_601] {strides = array<i32>} : memref<2304xf32, #tpu.memory_space<vmem>>, vector<16xf32>,
      %add3A_603 = arith.addf %add3A_595, %get3A_602 : vector<16xf32>
      %get3A_604 = arith.constant 1424 : index
      %get3A_605 = tpu.vector_load %arg14[%get3A_604] {strides = array<i32>} : memref<2304xf32, #tpu.memory_space<vmem>>, vector<16xf32>,
      %add3A_606 = arith.addf %add3A_598, %get3A_605 : vector<16xf32>
      %add3A_607 = arith.constant 1296 : i32
      %add3A_608 = arith.addi %add3A_607, %multiple_of3A_533 : i32
      %get3A_609 = arith.index_cast %add3A_608 : i32 to index
      %get3A_610 = tpu.vector_load %arg14[%get3A_609] {strides = array<i32>} : memref<2304xf32, #tpu.memory_space<vmem>>, vector<16xf32>,
      %add3A_611 = arith.addf %add3A_603, %get3A_610 : vector<16xf32>
      %get3A_612 = arith.constant 1568 : index
      %get3A_613 = tpu.vector_load %arg14[%get3A_612] {strides = array<i32>} : memref<2304xf32, #tpu.memory_space<vmem>>, vector<16xf32>,
      %add3A_614 = arith.addf %add3A_606, %get3A_613 : vector<16xf32>
      %add3A_615 = arith.constant 1440 : i32
      %add3A_616 = arith.addi %add3A_615, %multiple_of3A_533 : i32
      %get3A_617 = arith.index_cast %add3A_616 : i32 to index
      %get3A_618 = tpu.vector_load %arg14[%get3A_617] {strides = array<i32>} : memref<2304xf32, #tpu.memory_space<vmem>>, vector<16xf32>,
      %add3A_619 = arith.addf %add3A_611, %get3A_618 : vector<16xf32>
      %get3A_620 = arith.constant 1712 : index
      %get3A_621 = tpu.vector_load %arg14[%get3A_620] {strides = array<i32>} : memref<2304xf32, #tpu.memory_space<vmem>>, vector<16xf32>,
      %add3A_622 = arith.addf %add3A_614, %get3A_621 : vector<16xf32>
      %add3A_623 = arith.constant 1584 : i32
      %add3A_624 = arith.addi %add3A_623, %multiple_of3A_533 : i32
      %get3A_625 = arith.index_cast %add3A_624 : i32 to index
      %get3A_626 = tpu.vector_load %arg14[%get3A_625] {strides = array<i32>} : memref<2304xf32, #tpu.memory_space<vmem>>, vector<16xf32>,
      %add3A_627 = arith.addf %add3A_619, %get3A_626 : vector<16xf32>
      %get3A_628 = arith.constant 1856 : index
      %get3A_629 = tpu.vector_load %arg14[%get3A_628] {strides = array<i32>} : memref<2304xf32, #tpu.memory_space<vmem>>, vector<16xf32>,
      %add3A_630 = arith.addf %add3A_622, %get3A_629 : vector<16xf32>
      %add3A_631 = arith.constant 1728 : i32
      %add3A_632 = arith.addi %add3A_631, %multiple_of3A_533 : i32
      %get3A_633 = arith.index_cast %add3A_632 : i32 to index
      %get3A_634 = tpu.vector_load %arg14[%get3A_633] {strides = array<i32>} : memref<2304xf32, #tpu.memory_space<vmem>>, vector<16xf32>,
      %add3A_635 = arith.addf %add3A_627, %get3A_634 : vector<16xf32>
      %get3A_636 = arith.constant 2000 : index
      %get3A_637 = tpu.vector_load %arg14[%get3A_636] {strides = array<i32>} : memref<2304xf32, #tpu.memory_space<vmem>>, vector<16xf32>,
      %add3A_638 = arith.addf %add3A_630, %get3A_637 : vector<16xf32>
      %add3A_639 = arith.constant 1872 : i32
      %add3A_640 = arith.addi %add3A_639, %multiple_of3A_533 : i32
      %get3A_641 = arith.index_cast %add3A_640 : i32 to index
      %get3A_642 = tpu.vector_load %arg14[%get3A_641] {strides = array<i32>} : memref<2304xf32, #tpu.memory_space<vmem>>, vector<16xf32>,
      %add3A_643 = arith.addf %add3A_635, %get3A_642 : vector<16xf32>
      %get3A_644 = arith.constant 2144 : index
      %get3A_645 = tpu.vector_load %arg14[%get3A_644] {strides = array<i32>} : memref<2304xf32, #tpu.memory_space<vmem>>, vector<16xf32>,
      %add3A_646 = arith.addf %add3A_638, %get3A_645 : vector<16xf32>
      %add3A_647 = arith.constant 2016 : i32
      %add3A_648 = arith.addi %add3A_647, %multiple_of3A_533 : i32
      %get3A_649 = arith.index_cast %add3A_648 : i32 to index
      %get3A_650 = tpu.vector_load %arg14[%get3A_649] {strides = array<i32>} : memref<2304xf32, #tpu.memory_space<vmem>>, vector<16xf32>,
      %add3A_651 = arith.addf %add3A_643, %get3A_650 : vector<16xf32>
      %get3A_652 = arith.constant 2288 : index
      %get3A_653 = tpu.vector_load %arg14[%get3A_652] {strides = array<i32>} : memref<2304xf32, #tpu.memory_space<vmem>>, vector<16xf32>,
      %add3A_654 = arith.addf %add3A_646, %get3A_653 : vector<16xf32>
      %add3A_655 = arith.constant 2160 : i32
      %add3A_656 = arith.addi %add3A_655, %multiple_of3A_533 : i32
      %get3A_657 = arith.index_cast %add3A_656 : i32 to index
      %get3A_658 = tpu.vector_load %arg14[%get3A_657] {strides = array<i32>} : memref<2304xf32, #tpu.memory_space<vmem>>, vector<16xf32>,
      %add3A_659 = arith.addf %add3A_651, %get3A_658 : vector<16xf32>
      %add3A_660 = arith.constant 1.000000e+00 : f32
      %add3A_661 = vector.broadcast %add3A_660 : f32 to vector<16xf32>
      %add3A_662 = arith.addf %add3A_654, %add3A_661 : vector<16xf32>
      %div3A_663 = arith.constant 1.000000e+00 : f32
      %div3A_664 = vector.broadcast %div3A_663 : f32 to vector<16xf32>
      %div3A_665 = arith.divf %div3A_664, %add3A_662 : vector<16xf32>
      %get3A_666 = arith.constant 0 : index
      %get3A_667 = tpu.vector_load %arg12[%get3A_666] {strides = array<i32>} : memref<16xf32, #tpu.memory_space<vmem>>, vector<16xf32>,
      %add3A_668 = arith.addf %add3A_659, %get3A_667 : vector<16xf32>
      %mul3A_669 = arith.mulf %add3A_668, %div3A_665 : vector<16xf32>
      %swap3A_670 = arith.constant 0 : index
      %swap3A_671 = tpu.vector_load %arg13[%swap3A_670] {strides = array<i32>} : memref<16xf32, #tpu.memory_space<vmem>>, vector<16xf32>,
      tpu.vector_store %arg13[%swap3A_670], %mul3A_669 {strides = array<i32>} : memref<16xf32, #tpu.memory_space<vmem>>, vector<16xf32>,
      "tpu.region"() ({
        %run_scoped3A = tpu.sem_alloc : memref<!tpu.dma_semaphore, #tpu.memory_space<semaphore_mem>>
        %dma_start3A_672 = tpu.memref_slice %arg6[%multiple_of3A_533] : memref<128xf32, #tpu.memory_space<hbm>> -> memref<16xf32, #tpu.memory_space<hbm>>
        %dma_start3A_673 = tpu.memref_slice %arg6[%multiple_of3A_533] : memref<128xf32, #tpu.memory_space<hbm>> -> memref<16xf32, #tpu.memory_space<hbm>>
        tpu.enqueue_dma source(%arg13 : memref<16xf32, #tpu.memory_space<vmem>>) target(%dma_start3A_673 : memref<16xf32, #tpu.memory_space<hbm>>) target_semaphore(%run_scoped3A : memref<!tpu.dma_semaphore, #tpu.memory_space<semaphore_mem>>)
        %dma_wait3A_674 = tpu.memref_slice %arg6[%multiple_of3A_533] : memref<128xf32, #tpu.memory_space<hbm>> -> memref<16xf32, #tpu.memory_space<hbm>>
        %dma_wait3A_675 = tpu.memref_slice %arg6[%multiple_of3A_533] : memref<128xf32, #tpu.memory_space<hbm>> -> memref<16xf32, #tpu.memory_space<hbm>>
        tpu.wait_dma2 semaphore(%run_scoped3A : memref<!tpu.dma_semaphore, #tpu.memory_space<semaphore_mem>>) src(%arg13 : memref<16xf32, #tpu.memory_space<vmem>>) dst(%dma_wait3A_675 : memref<16xf32, #tpu.memory_space<hbm>>)
        tpu.yield
      }) : () -> ()
    } else {
    }
    return
  }
}

</mosaic_0001>

<sc_bundles>
// kernel: kernel.3.cloned.1.call-start
scs
__scs_entry_jumppad:
0x0: {  	(pc) =	sbr.rel $0x88, $3  }
0x1: {  	(tag) =	ssettag $0x0;
	lr =	simm.s32 $0x1  }
0x2: {  	[smem:$0x3F9E] =	sst lr;
	_ =	strace $0xD0000000  }
0x3: {  	_ = 	snop  }
0x4: {  	_ = 	snop  }
0x5: {  	_ = 	snop  }
0x6: {  	_ = 	snop  }
0x7: {  	_ = 	snop  }
__scs_overlays_trampoline_lowered:
0x8: {  	[smem:$0x3FAD] =	sst s0  }
0x9: {  	[smem:$0x3FAE] =	sst s1  }
0xa: {  	[smem:$0x3FAF] =	sst s2  }
0xb: {  	[smem:$0x3FB0] =	sst s3  }
0xc: {  	[smem:$0x3FB1] =	sst s4  }
0xd: {  	[smem:$0x3FB2] =	sst s5  }
0xe: {  	[smem:$0x3FB3] =	sst s6  }
0xf: {  	[smem:$0x3FB4] =	sst s7  }
0x10: {  	[smem:$0x3FB5] =	sst s8  }
0x11: {  	[smem:$0x3FB6] =	sst s9;
	s0 =	simm.s32 @!p0 $0x0  }
0x12: {  	s1 =	sld [smem:$0x3F9C];
	s0 =	simm.s32 @p0 $0x1  }
0x13: {  	[smem:$0x3FB7] =	sst s0;
	s0 =	simm.s32 @!p1 $0x0  }
0x14: {  	s2 =	sld [smem:$0x3F9B];
	s0 =	simm.s32 @p1 $0x1  }
0x15: {  	[smem:$0x3FB8] =	sst s0;
	s0 =	simm.s32 @!p2 $0x0  }
0x16: {  	s3 =	sld [smem:$0x3FDB];
	s0 =	simm.s32 @p2 $0x1  }
0x17: {  	s4 =	simm.s32 $0x1BF5;
	[smem:$0x3FBA] =	sst s0  }
0x18: {  	s0 =	sld [smem:$0x3F9D];
	_ =	swait.ge [sflag:s4], $0x0  }
0x19: {  	s7 =	sld [smem:$0x3F9E]  }
0x1a: {  	s8 =	sadd.s32 $0xFFFFE003, lr  }
0x1b: {  	s9 =	sadd.s32 $0xFFFFFEF7, lr;
	s5 =	simm.s32 $0xFFFFFFFF;
	p2 =	slt.u32 s8, $0xFFFFF086  }
0x1c: {  	p1 =	slt.u32 s9, $0xF7A;
	s5 =	simm.s32 @!p2 $0x0  }
0x1d: {  	s5 =	simm.s32 @p1 $0x1;
	p0 =	seq.s32 s7, s2  }
0x1e: {  	s7 =	smul.u32 @!p0 $0xF7A, s2;
	p2 =	seq.s32 @!p0 s5, $0x0  }
0x1f: {  	s9 =	smul.u32 $0xF7A, s1;
	s8 =	simm.s32 @!p0 $0x1BF5;
	p2 =	por !p2, p0  }
0x20: {  	[sflag:s8] =	ssyncset.s32 @!p0 $0xFFFFF086;
	s6 =	sadd.s32 @!p0 s3, s7;
	s7 =	simm.s32 @!p0 $0x108  }
0x21: {  	s3 =	sadd.s32 s3, s9;
	s6 =	sadd.s32 @!p0 $0x88, s6;
	s7 =	simm.s32 @p2 $0x1082  }
0x22: {  	[simem:s7], [sflag:s8] =	dma.local @!p0 [hbm:s6], $0xF7A  }
0x23: {  	s9 =	sor.u32 $0xD0000000, s2;
	s6 =	simm.s32 $0x108;
	_ =	swait.ge @!p0 [sflag:s8], $0x0  }
0x24: {  	s3 =	sadd.s32 $0x88, s3;
	s6 =	simm.s32 @!p1 $0x1082;
	[sflag:s4] =	ssyncset.s32 $0xFFFFF086  }
0x25: {  	[simem:s6], [sflag:s4] =	dma.local [hbm:s3], $0xF7A  }
0x26: {  	[smem:$0x3F9E] =	sst s1;
	(tag) =	ssettag s2;
	_ =	strace s9  }
0x27: {  	s1 =	sld [smem:$0x3FAE]  }
0x28: {  	s2 =	sld [smem:$0x3FAF]  }
0x29: {  	s4 =	sld [smem:$0x3FB1]  }
0x2a: {  	p0 =	seq.s32 s5, $0x0;
	s5 =	sld [smem:$0x3FB2]  }
0x2b: {  	s6 =	sld [smem:$0x3FB3]  }
0x2c: {  	s7 =	sld [smem:$0x3FB4]  }
0x2d: {  	s3 =	simm.s32 $0x108;
	s8 =	sld [smem:$0x3FB5]  }
0x2e: {  	s3 =	simm.s32 @!p0 $0x1082;
	s9 =	sld [smem:$0x3FB6]  }
0x2f: {  	lr =	sadd.s32 s0, s3;
	s0 =	sld [smem:$0x3FAD]  }
0x30: {  	s3 =	sld [smem:$0x3FB0]  }
0x31: {  	[smem:$0x3FB9] =	sst s10  }
0x32: {  	s10 =	sld [smem:$0x3FB7];
	_ =	sdelay $0x3  }
0x33: {  	p0 =	seq.s32 s10, $0x1;
	s10 =	sld [smem:$0x3FB9];
	_ =	sdelay $0x3  }
0x34: {  	[smem:$0x3FB9] =	sst s10  }
0x35: {  	s10 =	sld [smem:$0x3FB8];
	_ =	sdelay $0x3  }
0x36: {  	p1 =	seq.s32 s10, $0x1;
	s10 =	sld [smem:$0x3FB9];
	_ =	sdelay $0x3  }
0x37: {  	[smem:$0x3FB9] =	sst s10  }
0x38: {  	s10 =	sld [smem:$0x3FBA]  }
0x39: {  	_ = 	snop;
	(pc) =	sbr.ind lr, $3  }
0x3a: {  	_ = 	snop  }
0x3b: {  	_ = 	snop  }
0x3c: {  	p2 =	seq.s32 s10, $0x1;
	s10 =	sld [smem:$0x3FB9]  }
0x3d: {  	_ =	shalt  }
0x3e: {  	_ =	shalt  }
0x3f: {  	_ =	shalt  }
0x40: {  	_ =	shalt  }
0x41: {  	_ =	shalt  }
0x42: {  	_ =	shalt  }
0x43: {  	_ =	shalt  }
0x44: {  	_ =	shalt  }
0x45: {  	_ =	shalt  }
0x46: {  	_ =	shalt  }
0x47: {  	_ =	shalt  }
0x48: {  	_ =	shalt  }
0x49: {  	_ =	shalt  }
0x4a: {  	_ =	shalt  }
0x4b: {  	_ =	shalt  }
0x4c: {  	_ =	shalt  }
0x4d: {  	_ =	shalt  }
0x4e: {  	_ =	shalt  }
0x4f: {  	_ =	shalt  }
0x50: {  	_ =	shalt  }
0x51: {  	_ =	shalt  }
0x52: {  	_ =	shalt  }
0x53: {  	_ =	shalt  }
0x54: {  	_ =	shalt  }
0x55: {  	_ =	shalt  }
0x56: {  	_ =	shalt  }
0x57: {  	_ =	shalt  }
0x58: {  	_ =	shalt  }
0x59: {  	_ =	shalt  }
0x5a: {  	_ =	shalt  }
0x5b: {  	_ =	shalt  }
0x5c: {  	_ =	shalt  }
0x5d: {  	_ =	shalt  }
0x5e: {  	_ =	shalt  }
0x5f: {  	_ =	shalt  }
0x60: {  	_ =	shalt  }
0x61: {  	_ =	shalt  }
0x62: {  	_ =	shalt  }
0x63: {  	_ =	shalt  }
0x64: {  	_ =	shalt  }
0x65: {  	_ =	shalt  }
0x66: {  	_ =	shalt  }
0x67: {  	_ =	shalt  }
0x68: {  	_ =	shalt  }
0x69: {  	_ =	shalt  }
0x6a: {  	_ =	shalt  }
0x6b: {  	_ =	shalt  }
0x6c: {  	_ =	shalt  }
0x6d: {  	_ =	shalt  }
0x6e: {  	_ =	shalt  }
0x6f: {  	_ =	shalt  }
0x70: {  	_ =	shalt  }
0x71: {  	_ =	shalt  }
0x72: {  	_ =	shalt  }
0x73: {  	_ =	shalt  }
0x74: {  	_ =	shalt  }
0x75: {  	_ =	shalt  }
0x76: {  	_ =	shalt  }
0x77: {  	_ =	shalt  }
0x78: {  	_ =	shalt  }
0x79: {  	_ =	shalt  }
0x7a: {  	_ =	shalt  }
0x7b: {  	_ =	shalt  }
0x7c: {  	_ =	shalt  }
0x7d: {  	_ =	shalt  }
0x7e: {  	_ =	shalt  }
0x7f: {  	_ =	shalt  }
0x80: {  	_ =	shalt  }
0x81: {  	_ =	shalt  }
0x82: {  	_ =	shalt  }
0x83: {  	_ =	shalt  }
0x84: {  	_ =	shalt  }
0x85: {  	_ =	shalt  }
0x86: {  	_ =	shalt  }
0x87: {  	_ =	shalt  }
.Lfunc_end0:
.L_simem_size_0:
called_computation_lowered:
.L_overlay_start_0:
0x88: {  	s0 =	sld [smem:$0x3FD9]  }
0x89: {  	s1 =	sld [smem:$0x3FFE];
	_ =	sdelay $0x3  }
0x8a: {  	s0 =	sadd.s32 s1, s0  }
0x8b: {  	[smem:$0x3FC5] =	sst s0  }
0x8c: {  	_ = 	snop  }
0x8d: {  	s0 =	sld [smem:$0x3FC9]  }
0x8e: {  	s16 =	sld [smem:$0x3FC8]  }
0x8f: {  	s2 =	sld [smem:$0x3FD0];
	(tm) =	ssettm $0x1  }
0x90: {  	s3 =	sld [smem:$0x3FFB];
	_ =	sdelay $0x3  }
0x91: {  	_ =	strace s3  }
0x92: {  	s3 =	sld [smem:$0x3FFC];
	_ =	sdelay $0x3  }
0x93: {  	_ =	strace s3  }
0x94: {  	s3 =	sld [smem:$0x3FFD];
	_ =	sdelay $0x3  }
0x95: {  	_ =	strace s3  }
0x96: {  	_ =	strace $0x8FFFFFFF  }
0x97: {  	s17 =	sld [smem:$0x3FDB];
	_ =	sdelay $0x1  }
0x98: {  	s4 =	simm.s32 $_scs_section_size  }
0x99: {  	s5 =	simm.s32 $_size__tile_overlayer_lowered;
	s6 =	simm.s32 $_tile_overlayer_lowered  }
0x9a: {  	s20 =	simm.s32 $0x1BFF;
	s19 =	sshll.u32 s6, $0x1;
	s3 =	sadd.s32 s4, s17  }
0x9b: {  	s7 =	simm.s32 $0x0;
	s18 =	sshll.u32 s5, $0x1;
	s5 =	sadd.s32 s19, s3  }
0x9c: {  	[timem:s7], [sflag:s20] =	dma.local [hbm:s5], s18  }
0x9d: {  	_ =	swait.ge [sflag:s20], s18  }
0x9e: {  	s4 =	ssub.s32 $0x0, s18;
	[sflag:s20] =	ssyncset.done $0x0  }
0x9f: {  	[sflag:s20] =	ssyncadd.s32 s4;
	_ =	sdelay $0x1  }
0xa0: {  	s21 =	simm.s32 $0x1B8B  }
0xa1: {  	_ =	swait.ge [sflag:s21], $0x1  }
0xa2: {  	[sflag:s21] =	ssyncset.done $0x0  }
0xa3: {  	s23 =	simm.s32 $0x1B8E;
	s22 =	sld [smem:$0x3FFE];
	[sflag:s21] =	ssyncadd.s32 $0xFFFFFFFF  }
0xa4: {  	s24 =	simm.s32 $execute0_lowered;
	[smem:$0x3FD2] =	sst s23  }
0xa5: {  	s5 =	sshll.u32 s24, $0x1;
	_ =	strace $0x80000046;
	[dreg:$0x1] =	wrdreg $0xFFFFFFFF  }
0xa6: {  	s25 =	simm.s32 $_size_execute0_lowered;
	s3 =	sadd.s32 s3, s5;
	[dreg:$0x0] =	wrdreg $0x0  }
0xa7: {  	s5 =	sshll.u32 s25, $0x1;
	[dreg:$0x2] =	wrdreg s3  }
0xa8: {  	[dreg:$0x3] =	wrdreg s5  }
0xa9: {  	[dreg:$0x4] =	wrdreg $0xC0  }
0xaa: {  	_ =	task [dreg:s7], $0x5FFFF  }
0xab: {  	[dreg:$0x1] =	wrdreg $0xFFFFFFFF  }
0xac: {  	[dreg:$0x0] =	wrdreg $0x60  }
0xad: {  	[dreg:$0x2] =	wrdreg s16  }
0xae: {  	[dreg:$0x3] =	wrdreg s0  }
0xaf: {  	[dreg:$0x4] =	wrdreg s22  }
0xb0: {  	[dreg:$0x5] =	wrdreg s2  }
0xb1: {  	[dreg:$0x6] =	wrdreg $0x54000  }
0xb2: {  	[dreg:$0x7] =	wrdreg $0x9  }
0xb3: {  	_ =	task.clear_ibuf [dreg:s7], $0x8FFFF;
	_ =	strace $0x90000046  }
0xb4: {  	s26 =	simm.s32 $0x9;
	_ =	strace $0x8000004B  }
0xb5: {  	_ =	swait.ge [sflag:s26], $0x1  }
0xb6: {  	[sflag:s26] =	ssyncadd.s32 $0xFFFFFFFF  }
0xb7: {  	_ =	strace $0x9000004B  }
0xb8: {  	_ =	sfence  }
0xb9: {  	s28 =	sld [smem:$0x0];
	_ =	sdelay $0x1  }
0xba: {  	s29 =	srdreg.scid  }
0xbb: {  	s30 =	sshll.u32 s29, $0xD;
	s31 =	sshrl.u32 s29, $0x2  }
0xbc: {  	s1 =	sand.u32 $0x1, s29;
	s2 =	sand.u32 $0x4000, s30;
	s0 =	sadd.s32 s31, s28  }
0xbd: {  	s1 =	sor.u32 s2, s1;
	s0 =	sshll.u32 s0, $0x11  }
0xbe: {  	s0 =	sor.u32 s0, s1  }
0xbf: {  	s0 =	sadd.s32 $0x8F2B, s0  }
0xc0: {  	[sflag:s0] =	ssyncadd.remote.s32 $0x1  }
0xc1: {  	_ =	sfence.sel $0xFFFF  }
0xc2: {  	[dreg:$0x0] =	wrdreg $0xFFFFFFFF;
	(pc) =	sbr.abs _section_cstart, $3  }
0xc3: {  	[dreg:$0x1] =	wrdreg $0xFFFFFFFF  }
0xc4: {  	_ =	task.clear_ibuf [dreg:s7], $0x2FFFF;
	_ =	strace $0x9FFFFFFF  }
0xc5: {  	(tm) =	ssettm $0x7FFFFFFF  }
tec
execute0_lowered:
.L_overlay_start_1:
0x0: {  	(tag) =	ssettag $0x1  }
0x1: {  	s7 =	rddreg [dreg:$0x0]  }
0x2: {  	s3 =	rddreg [dreg:$0x1]  }
0x3: {  	s6 =	rddreg [dreg:$0x2]  }
0x4: {  	s4 =	rddreg [dreg:$0x3]  }
0x5: {  	s2 =	rddreg [dreg:$0x4]  }
0x6: {  	s0 =	rddreg [dreg:$0x5];
	s8 =	simm.s32 $0x0;
	s1 =	stileid.u32  }
0x7: {  	[smem:$0x7FF] =	sst s8;
	s9 =	sshll.u32 s1, $0x7  }
0x8: {  	s5 =	sshll.u32 s1, $0xA;
	_ =	strace $0x80000047;
	s7 =	sadd.s32 s7, s9  }
0x9: {  	[tilespmem:s8], [sflag:$0x1] =	stream.linear.gather [hbm4b:s7+s8], $0x400, $0x38;
	[tilespmem:$0x5490] =	vst v63  }
0xa: {  	v1 =	vlaneseq.u32;
	s10 =	simm.s32 $0x400;
	s30 =	sadd.s32 $0x400, s6;
	s31 =	sor.u32 $0x10, s5  }
0xb: {  	v0 =	vor.u32 s5, v1;
	[tilespmem:s10], [sflag:$0x2] =	stream.linear.gather [hbm4b:s30+s8], $0x80, $0x38;
	[tilespmem:$0x5490] =	vst v63  }
0xc: {  	s11 =	sor.u32 $0x20, s5;
	v2 =	vor.u32 s31, v1;
	[tilespmem:$0x480] =	vst v0  }
0xd: {  	s12 =	sor.u32 $0x30, s5;
	v3 =	vor.u32 s11, v1;
	[tilespmem:$0x490] =	vst v2  }
0xe: {  	s13 =	sor.u32 $0x40, s5;
	v4 =	vor.u32 s12, v1;
	[tilespmem:$0x4A0] =	vst v3  }
0xf: {  	s14 =	sor.u32 $0x50, s5;
	v5 =	vor.u32 s13, v1;
	[tilespmem:$0x4B0] =	vst v4  }
0x10: {  	s15 =	sor.u32 $0x60, s5;
	v6 =	vor.u32 s14, v1;
	[tilespmem:$0x4C0] =	vst v5  }
0x11: {  	s16 =	sor.u32 $0x70, s5;
	v7 =	vor.u32 s15, v1;
	[tilespmem:$0x4D0] =	vst v6  }
0x12: {  	s17 =	sor.u32 $0x80, s5;
	v8 =	vor.u32 s16, v1;
	[tilespmem:$0x4E0] =	vst v7  }
0x13: {  	s18 =	sor.u32 $0x90, s5;
	v9 =	vor.u32 s17, v1;
	[tilespmem:$0x4F0] =	vst v8  }
0x14: {  	v10 =	vor.u32 s18, v1;
	[tilespmem:$0x500] =	vst v9  }
0x15: {  	[tilespmem:$0x510] =	vst v10  }
0x16: {  	[tilespmem:$0x880] =	vst v0  }
0x17: {  	[tilespmem:$0x890] =	vst v2  }
0x18: {  	[tilespmem:$0x8A0] =	vst v3  }
0x19: {  	[tilespmem:$0x8B0] =	vst v4  }
0x1a: {  	[tilespmem:$0x8C0] =	vst v5  }
0x1b: {  	[tilespmem:$0x8D0] =	vst v6  }
0x1c: {  	s19 =	sor.u32 $0xA0, s5;
	[tilespmem:$0x8E0] =	vst v7  }
0x1d: {  	s20 =	sor.u32 $0xB0, s5;
	v9 =	vor.u32 s19, v1;
	[tilespmem:$0x8F0] =	vst v8  }
0x1e: {  	s21 =	sor.u32 $0xC0, s5;
	v10 =	vor.u32 s20, v1;
	[tilespmem:$0x520] =	vst v9  }
0x1f: {  	s22 =	sor.u32 $0xD0, s5;
	v9 =	vor.u32 s21, v1;
	[tilespmem:$0x530] =	vst v10  }
0x20: {  	s23 =	sor.u32 $0xE0, s5;
	v10 =	vor.u32 s22, v1;
	[tilespmem:$0x540] =	vst v9  }
0x21: {  	s24 =	sor.u32 $0xF0, s5;
	v9 =	vor.u32 s23, v1;
	[tilespmem:$0x550] =	vst v10  }
0x22: {  	s25 =	sor.u32 $0x100, s5;
	v10 =	vor.u32 s24, v1;
	[tilespmem:$0x560] =	vst v9  }
0x23: {  	s26 =	sor.u32 $0x110, s5;
	v9 =	vor.u32 s25, v1;
	[tilespmem:$0x570] =	vst v10  }
0x24: {  	s28 =	sor.u32 $0x120, s5;
	v10 =	vor.u32 s26, v1;
	[tilespmem:$0x580] =	vst v9  }
0x25: {  	s29 =	sor.u32 $0x130, s5;
	v9 =	vor.u32 s28, v1;
	[tilespmem:$0x590] =	vst v10  }
0x26: {  	s30 =	sor.u32 $0x140, s5;
	v10 =	vor.u32 s29, v1;
	[tilespmem:$0x5A0] =	vst v9  }
0x27: {  	s31 =	sor.u32 $0x150, s5;
	v9 =	vor.u32 s30, v1;
	[tilespmem:$0x5B0] =	vst v10  }
0x28: {  	s8 =	sor.u32 $0x160, s5;
	v10 =	vor.u32 s31, v1;
	[tilespmem:$0x5C0] =	vst v9  }
0x29: {  	s9 =	sor.u32 $0x170, s5;
	v9 =	vor.u32 s8, v1;
	[tilespmem:$0x5D0] =	vst v10  }
0x2a: {  	s10 =	sor.u32 $0x180, s5;
	v10 =	vor.u32 s9, v1;
	[tilespmem:$0x5E0] =	vst v9  }
0x2b: {  	s11 =	sor.u32 $0x190, s5;
	v9 =	vor.u32 s10, v1;
	[tilespmem:$0x5F0] =	vst v10  }
0x2c: {  	s12 =	sor.u32 $0x1A0, s5;
	v10 =	vor.u32 s11, v1;
	[tilespmem:$0x600] =	vst v9  }
0x2d: {  	s13 =	sor.u32 $0x1B0, s5;
	v9 =	vor.u32 s12, v1;
	[tilespmem:$0x610] =	vst v10  }
0x2e: {  	s14 =	sor.u32 $0x1C0, s5;
	v10 =	vor.u32 s13, v1;
	[tilespmem:$0x620] =	vst v9  }
0x2f: {  	s15 =	sor.u32 $0x1D0, s5;
	v9 =	vor.u32 s14, v1;
	[tilespmem:$0x630] =	vst v10  }
0x30: {  	s16 =	sor.u32 $0x1E0, s5;
	v10 =	vor.u32 s15, v1;
	[tilespmem:$0x640] =	vst v9  }
0x31: {  	s17 =	sor.u32 $0x1F0, s5;
	v9 =	vor.u32 s16, v1;
	[tilespmem:$0x650] =	vst v10  }
0x32: {  	s18 =	sor.u32 $0x200, s5;
	v10 =	vor.u32 s17, v1;
	[tilespmem:$0x660] =	vst v9  }
0x33: {  	s19 =	sor.u32 $0x210, s5;
	v9 =	vor.u32 s18, v1;
	[tilespmem:$0x670] =	vst v10  }
0x34: {  	s20 =	sor.u32 $0x220, s5;
	v10 =	vor.u32 s19, v1;
	[tilespmem:$0x680] =	vst v9  }
0x35: {  	s21 =	sor.u32 $0x230, s5;
	v9 =	vor.u32 s20, v1;
	[tilespmem:$0x690] =	vst v10  }
0x36: {  	s22 =	sor.u32 $0x240, s5;
	v10 =	vor.u32 s21, v1;
	[tilespmem:$0x6A0] =	vst v9  }
0x37: {  	s23 =	sor.u32 $0x250, s5;
	v9 =	vor.u32 s22, v1;
	[tilespmem:$0x6B0] =	vst v10  }
0x38: {  	s24 =	sor.u32 $0x260, s5;
	v10 =	vor.u32 s23, v1;
	[tilespmem:$0x6C0] =	vst v9  }
0x39: {  	s25 =	sor.u32 $0x270, s5;
	v9 =	vor.u32 s24, v1;
	[tilespmem:$0x6D0] =	vst v10  }
0x3a: {  	s26 =	sor.u32 $0x280, s5;
	v10 =	vor.u32 s25, v1;
	[tilespmem:$0x6E0] =	vst v9  }
0x3b: {  	s28 =	sor.u32 $0x290, s5;
	v9 =	vor.u32 s26, v1;
	[tilespmem:$0x6F0] =	vst v10  }
0x3c: {  	s29 =	sor.u32 $0x2A0, s5;
	v10 =	vor.u32 s28, v1;
	[tilespmem:$0x700] =	vst v9  }
0x3d: {  	s30 =	sor.u32 $0x2B0, s5;
	v9 =	vor.u32 s29, v1;
	[tilespmem:$0x710] =	vst v10  }
0x3e: {  	s31 =	sor.u32 $0x2C0, s5;
	v10 =	vor.u32 s30, v1;
	[tilespmem:$0x720] =	vst v9  }
0x3f: {  	s8 =	sor.u32 $0x2D0, s5;
	v9 =	vor.u32 s31, v1;
	[tilespmem:$0x730] =	vst v10  }
0x40: {  	s9 =	sor.u32 $0x2E0, s5;
	v10 =	vor.u32 s8, v1;
	[tilespmem:$0x740] =	vst v9  }
0x41: {  	s10 =	sor.u32 $0x2F0, s5;
	v9 =	vor.u32 s9, v1;
	[tilespmem:$0x750] =	vst v10  }
0x42: {  	s11 =	sor.u32 $0x300, s5;
	v10 =	vor.u32 s10, v1;
	[tilespmem:$0x760] =	vst v9  }
0x43: {  	s12 =	sor.u32 $0x310, s5;
	v9 =	vor.u32 s11, v1;
	[tilespmem:$0x770] =	vst v10  }
0x44: {  	s13 =	sor.u32 $0x320, s5;
	v10 =	vor.u32 s12, v1;
	[tilespmem:$0x780] =	vst v9  }
0x45: {  	s14 =	sor.u32 $0x330, s5;
	v9 =	vor.u32 s13, v1;
	[tilespmem:$0x790] =	vst v10  }
0x46: {  	s15 =	sor.u32 $0x340, s5;
	v10 =	vor.u32 s14, v1;
	[tilespmem:$0x7A0] =	vst v9  }
0x47: {  	s16 =	sor.u32 $0x350, s5;
	v9 =	vor.u32 s15, v1;
	[tilespmem:$0x7B0] =	vst v10  }
0x48: {  	s17 =	sor.u32 $0x360, s5;
	v10 =	vor.u32 s16, v1;
	[tilespmem:$0x7C0] =	vst v9  }
0x49: {  	s18 =	sor.u32 $0x370, s5;
	v9 =	vor.u32 s17, v1;
	[tilespmem:$0x7D0] =	vst v10  }
0x4a: {  	s19 =	sor.u32 $0x380, s5;
	v10 =	vor.u32 s18, v1;
	[tilespmem:$0x7E0] =	vst v9  }
0x4b: {  	s20 =	sor.u32 $0x390, s5;
	v9 =	vor.u32 s19, v1;
	[tilespmem:$0x7F0] =	vst v10  }
0x4c: {  	s21 =	sor.u32 $0x3A0, s5;
	v10 =	vor.u32 s20, v1;
	[tilespmem:$0x800] =	vst v9  }
0x4d: {  	s22 =	sor.u32 $0x3B0, s5;
	v9 =	vor.u32 s21, v1;
	[tilespmem:$0x810] =	vst v10  }
0x4e: {  	s23 =	sor.u32 $0x3C0, s5;
	v10 =	vor.u32 s22, v1;
	[tilespmem:$0x820] =	vst v9  }
0x4f: {  	s24 =	sor.u32 $0x3D0, s5;
	v9 =	vor.u32 s23, v1;
	[tilespmem:$0x830] =	vst v10  }
0x50: {  	s25 =	sor.u32 $0x3E0, s5;
	v10 =	vor.u32 s24, v1;
	[tilespmem:$0x840] =	vst v9  }
0x51: {  	s26 =	sor.u32 $0x3F0, s5;
	v9 =	vor.u32 s25, v1;
	[tilespmem:$0x850] =	vst v10  }
0x52: {  	v10 =	vor.u32 s26, v1;
	[tilespmem:$0x860] =	vst v9  }
0x53: {  	s28 =	simm.s32 $0x1;
	[tilespmem:$0x870] =	vst v10  }
0x54: {  	_ =	swait.ge [sflag:s28], $0x400  }
0x55: {  	s6 =	sadd.s32 $0x600, s6;
	p0 =	sgt.u32 s1, $0x7;
	[sflag:s28] =	ssyncset.done $0x0  }
0x56: {  	s7 =	simm.s32 @!p0 $0x0;
	s29 =	simm.s32 $0x2;
	[sflag:s28] =	ssyncadd.s32 $0xFFFFFC00  }
0x57: {  	s8 =	simm.s32 @!p0 $0x4A00;
	s9 =	simm.s32 @!p0 $0x0;
	_ =	swait.ge [sflag:s29], $0x80  }
0x58: {  	s10 =	sshll.u32 s1, $0x1;
	s9 =	simm.s32 @p0 $0x1;
	[sflag:s29] =	ssyncset.done $0x0  }
0x59: {  	s6 =	sadd.s32 @!p0 s6, s10;
	[smem:$0x7FD] =	sst s9;
	[sflag:s29] =	ssyncadd.s32 $0xFFFFFF80  }
0x5a: {  	v0 =	vld [tilespmem:$0x400];
	[tilespmem:s8], [sflag:$0x2] =	stream.linear.gather @!p0 [hbm4b:s6+s7], $0x10, $0x38  }
0x5b: {  	s30 =	simm.s32 $0x20;
	_ =	strace $0x80000048  }
0x5c: {  	v3 =	vld [tilespmem:s30+$0xFFFFFFE0];
	_ =	sdelay $0x1  }
0x5d: {  	v4 =	vld [tilespmem:s30+$0x10]  }
0x5e: {  	v5 =	vld [tilespmem:s30+$0x0];
	_ =	sdelay $0x1  }
0x5f: {  	v2 =	vimm.s32 $0x0;
	v6 =	vld [tilespmem:s30+$0xFFFFFFF0];
	vm1 =	veq.s32 v3, v0  }
0x60: {  	v3 =	vsel vm1, $0x1, v2  }
0x61: {  	vm2 =	veq.s32 v4, v0;
	(xrf0) =	vadd.scan.msk.s32 $0xffff, v3  }
0x62: {  	vm0 =	veq.s32 v5, v0;
	v3 =	vsel vm2, $0x1, v2  }
0x63: {  	v4 =	vsel vm0, $0x1, v2;
	(xrf0) =	vadd.scan.msk.s32 $0xffff, v3  }
0x64: {  	vm3 =	veq.s32 v6, v0;
	(xrf0) =	vadd.scan.msk.s32 $0xffff, v4  }
0x65: {  	s9 =	simm.s32 $0x60;
	v3 =	vsel vm3, $0x1, v2  }
0x66: {  	v8 =	vld [tilespmem:s9+$0x10];
	v4 =	vmpcnt.ones.xlane vm1;
	(xrf0) =	vadd.scan.msk.s32 $0xffff, v3  }
0x67: {  	v5 =	vld [tilespmem:s9+$0xFFFFFFE0];
	vm4 =	vmmov vm1;
	vm6 =	vmmov vm2;
	v3 =	vmpcnt.ones.xlane vm3;
	v6, _, _ =	vpop (xrf0)  }
0x68: {  	v7 =	vmpcnt.ones.xlane vm0;
	v4 =	vadd.s32 v2, v4;
	v6 =	vadd.s32 v6, v2  }
0x69: {  	v9 =	vadd.s32 v4, v3;
	v3 =	vmpcnt.ones.xlane vm6;
	v11, _, _ =	vpop (xrf0);
	v6 =	vadd.s32 $0xFFFFFFFF, v6  }
0x6a: {  	v10 =	vld [tilespmem:s9+$0x0];
	v7 =	vadd.s32 v9, v7;
	v12, _, _ =	vpop (xrf0)  }
0x6b: {  	s8 =	sadd.s32 $0x30, s5;
	v3 =	vadd.s32 v7, v3;
	v11 =	vadd.s32 v11, v7;
	v7 =	vadd.s32 v12, v9;
	v9 =	vld [tilespmem:s9+$0xFFFFFFF0]  }
0x6c: {  	s5 =	sadd.s32 $0xFFFFFFD0, s8;
	vm5 =	veq.s32 v8, v0;
	vm2 =	veq.s32 v5, v0;
	v11 =	vadd.s32 $0xFFFFFFFF, v11;
	v5, _, _ =	vpop (xrf0)  }
0x6d: {  	s7 =	simm.s32 $0x480;
	vm1 =	vmmov vm3;
	v5 =	vadd.s32 v5, v4;
	v4 =	vor.u32 s5, v1  }
0x6e: {  	vm0 =	vmmov vm0;
	v5 =	vadd.s32 $0xFFFFFFFF, v5;
	[tilespmem:v6+s7+$0x0] =	vst.idx.msk vm4, v4;
	v6 =	vsel vm2, $0x1, v2  }
0x6f: {  	s31 =	smul.u32 $0x240, s1;
	vm3 =	veq.s32 v10, v0;
	v4 =	vadd.s32 $0xFFFFFFFF, v7;
	(xrf0) =	vadd.scan.msk.s32 $0xffff, v6;
	v6 =	vsel vm5, $0x1, v2  }
0x70: {  	s12 =	sadd.s32 $0xFFFFFFE0, s8;
	v8 =	vor.u32 s8, v1;
	vm4 =	veq.s32 v9, v0;
	v9 =	vsel vm3, $0x1, v2;
	(xrf0) =	vadd.scan.msk.s32 $0xffff, v6  }
0x71: {  	s4 =	sadd.s32 s4, s10;
	s11 =	sadd.s32 $0xFFFFFFF0, s8;
	s5 =	sshrl.u32 s31, $0x2;
	[tilespmem:v11+s7+$0x0] =	vst.idx.msk vm6, v8;
	v8 =	vor.u32 s12, v1;
	v6 =	vsel vm4, $0x1, v2;
	(xrf0) =	vadd.scan.msk.s32 $0xffff, v9  }
0x72: {  	s10 =	simm.s32 $0x4;
	s6 =	sadd.s32 s5, s2;
	s5 =	sshll.u32 s1, $0x4;
	v7 =	vmpcnt.ones.xlane vm4;
	v9 =	vmpcnt.ones.xlane vm2;
	(xrf0) =	vadd.scan.msk.s32 $0xffff, v6;
	v6 =	vor.u32 s11, v1  }
.LBB2_1:
0x73: {  	s10 =	sadd.s32 $0x4, s10;
	s9 =	sadd.s32 $0x40, s9;
	[tilespmem:v5+s7+$0x0] =	vst.idx.msk vm1, v8;
	s8 =	sadd.s32 $0x40, s8;
	vm7 =	vmmov vm2;
	vm6 =	vmmov vm5;
	vm1 =	vmmov vm4  }
0x74: {  	v5 =	vld [tilespmem:s9+$0xFFFFFFE0];
	p0 =	slt.u32 s10, $0x3C;
	v8 =	vadd.s32 v3, v9;
	v9 =	vmpcnt.ones.xlane vm3;
	[tilespmem:v4+s7+$0x0] =	vst.idx.msk vm0, v6;
	vm0 =	vmmov vm3  }
0x75: {  	v14 =	vmpcnt.ones.xlane vm6;
	v6 =	vld [tilespmem:s9+$0x10];
	v4 =	vadd.s32 v8, v7;
	v10, _, _ =	vpop (xrf0)  }
0x76: {  	v11 =	vld [tilespmem:s9+$0x0];
	v3 =	vadd.s32 v10, v3;
	v9 =	vadd.s32 v4, v9;
	v10, _, _ =	vpop (xrf0)  }
0x77: {  	v12 =	vld [tilespmem:s9+$0xFFFFFFF0];
	v13 =	vadd.s32 $0xFFFFFFFF, v3;
	v10 =	vadd.s32 v10, v9;
	v3 =	vadd.s32 v9, v14;
	v7, _, _ =	vpop (xrf0)  }
0x78: {  	v4 =	vadd.s32 v7, v4;
	v9 =	vadd.s32 $0xFFFFFFFF, v10;
	v10 =	vor.u32 s8, v1;
	v7, _, _ =	vpop (xrf0)  }
0x79: {  	vm2 =	veq.s32 v5, v0;
	v5 =	vadd.s32 v7, v8;
	v4 =	vadd.s32 $0xFFFFFFFF, v4  }
.Ltmp0:
0x7a: {  	s11 =	sadd.s32 $0xFFFFFFD0, s8;
	v7 =	vsel vm2, $0x1, v2;
	vm5 =	veq.s32 v6, v0;
	v5 =	vadd.s32 $0xFFFFFFFF, v5;
	(pc) =	sbr.rel @p0 .LBB2_1-.Ltmp0, $4  }
0x7b: {  	vm3 =	veq.s32 v11, v0;
	v6 =	vsel vm5, $0x1, v2;
	(xrf0) =	vadd.scan.msk.s32 $0xffff, v7;
	v7 =	vor.u32 s11, v1  }
0x7c: {  	s11 =	sadd.s32 $0xFFFFFFF0, s8;
	vm4 =	veq.s32 v12, v0;
	v8 =	vsel vm3, $0x1, v2;
	(xrf0) =	vadd.scan.msk.s32 $0xffff, v6;
	[tilespmem:v13+s7+$0x0] =	vst.idx.msk vm7, v7  }
0x7d: {  	s12 =	sadd.s32 $0xFFFFFFE0, s8;
	v7 =	vmpcnt.ones.xlane vm4;
	v6 =	vsel vm4, $0x1, v2;
	(xrf0) =	vadd.scan.msk.s32 $0xffff, v8;
	[tilespmem:v9+s7+$0x0] =	vst.idx.msk vm6, v10  }
0x7e: {  	v9 =	vmpcnt.ones.xlane vm2;
	v8 =	vor.u32 s12, v1;
	(xrf0) =	vadd.scan.msk.s32 $0xffff, v6;
	v6 =	vor.u32 s11, v1  }
0x7f: {  	_ = 	snop  }
0x80: {  	vm5 =	vmmov vm5;
	v0 =	vmpcnt.ones.xlane vm3;
	v2 =	vadd.s32 v3, v9  }
0x81: {  	v58 =	vmpcnt.ones.xlane vm5;
	v7 =	vadd.s32 v2, v7  }
0x82: {  	v10 =	vadd.s32 v7, v0  }
0x83: {  	v0 =	vadd.s32 v10, v58  }
0x84: {  	v9 =	vxor.u32 $0x80000000, v0  }
0x85: {  	(xrf0) =	vmax.scan.msk.u32 $0xffff, v9;
	_ =	sdelay $0x1  }
0x86: {  	v59, _, _ =	vpop (xrf0)  }
0x87: {  	v11, _, _ =	vpop (xrf0)  }
0x88: {  	v12, _, _ =	vpop (xrf0)  }
0x89: {  	v13, _, _ =	vpop (xrf0)  }
0x8a: {  	v14, _, _ =	vpop (xrf0)  }
0x8b: {  	(v2sf) =	vpush v14, $0xF;
	_ =	sdelay $0xc  }
0x8c: {  	vm2 =	vmmov vm2;
	v3 =	vadd.s32 v59, v3  }
0x8d: {  	v60 =	vadd.s32 v11, v10;
	v3 =	vadd.s32 $0xFFFFFFFF, v3  }
0x8e: {  	vm15 =	vmmov vm3;
	v7 =	vadd.s32 v12, v7;
	v9 =	vadd.s32 $0xFFFFFFFF, v60;
	s9 =	spop (v2sf)  }
0x8f: {  	vm4 =	vmmov vm4;
	s8 =	sadd.s32 $0x40, s8;
	v2 =	vadd.s32 v13, v2;
	v61 =	vadd.s32 $0xFFFFFFFF, v7;
	s11 =	sadd.s32 $0x8000001F, s9  }
0x90: {  	[tilespmem:v5+s7+$0x0] =	vst.idx.msk vm1, v8;
	s10 =	sadd.s32 $0xFFFFFFD0, s8;
	s23 =	sadd.s32 $0xFFFFFFE0, s8;
	v2 =	vadd.s32 $0xFFFFFFFF, v2;
	s12 =	sand.u32 $0x1F, s11  }
0x91: {  	[tilespmem:v4+s7+$0x0] =	vst.idx.msk vm0, v6;
	v62 =	vor.u32 s10, v1;
	s24 =	sshra.s32 s11, $0x1F;
	p1 =	slt.s32 s11, $0x1;
	p0 =	sne.s32 s12, $0x0  }
0x92: {  	v63 =	vor.u32 s8, v1;
	s8 =	sadd.s32 $0xFFFFFFF0, s8;
	[tilespmem:v3+s7+$0x0] =	vst.idx.msk vm2, v62;
	s25 =	sshrl.u32 s24, $0x1B;
	p0 =	por !p1, !p0  }
0x93: {  	s10 =	simm.s32 $0x1;
	v3 =	vor.u32 s23, v1;
	v1 =	vor.u32 s8, v1;
	[tilespmem:v9+s7+$0x0] =	vst.idx.msk vm5, v63;
	s26 =	sadd.s32 s25, s11;
	p0 =	por !p0, !p0  }
0x94: {  	[tilespmem:v61+s7+$0x0] =	vst.idx.msk vm15, v1;
	s28 =	sshra.s32 s26, $0x5;
	s10 =	simm.s32 @!p0 $0x0  }
0x95: {  	[tilespmem:v2+s7+$0x0] =	vst.idx.msk vm4, v3;
	s7 =	ssub.s32 s28, s10  }
0x96: {  	s29 =	sadd.s32 $0x3, s7  }
0x97: {  	s30 =	sand.u32 $0x3, s29  }
0x98: {  	p5 =	slt.s32 s7, $0xFFFFFFFE;
	p6 =	sne.s32 s30, $0x0  }
0x99: {  	v1 =	vimm.f32 $0.0e+00;
	_ =	strace $0x90000048;
	s31 =	sshrl.u32 s29, $0x1E;
	p0 =	por !p5, !p6  }
0x9a: {  	[tilespmem:$0x4900] =	vst v1;
	s11 =	simm.s32 $0x1;
	s8 =	sadd.s32 s31, s29;
	p0 =	por !p0, !p0  }
0x9b: {  	[tilespmem:$0x4910] =	vst v1;
	s8 =	sshra.s32 s8, $0x2;
	s11 =	simm.s32 @!p0 $0x0  }
0x9c: {  	[tilespmem:$0x4920] =	vst v1;
	s8 =	ssub.s32 s8, s11  }
0x9d: {  	[tilespmem:$0x4930] =	vst v1;
	p0 =	slt.s32 s8, $0x1  }
.Ltmp1:
0x9e: {  	[tilespmem:$0x4940] =	vst v1;
	(pc) =	sbr.rel @p0 .LBB2_7-.Ltmp1, $4  }
0x9f: {  	[tilespmem:$0x4950] =	vst v1  }
0xa0: {  	[tilespmem:$0x4960] =	vst v1  }
0xa1: {  	[tilespmem:$0x4970] =	vst v1  }
0xa2: {  	_ =	strace $0x80000049  }
0xa3: {  	s9 =	sxor.u32 $0x80000000, s9  }
0xa4: {  	s10 =	simm.s32 $0x0;
	s11 =	simm.s32 $0x4900;
	s12 =	simm.s32 $0x4910  }
0xa5: {  	s13 =	simm.s32 $0x4920;
	s14 =	simm.s32 $0x4930;
	s15 =	simm.s32 $0x4940  }
0xa6: {  	s16 =	simm.s32 $0x4950;
	s17 =	simm.s32 $0x4960;
	s18 =	simm.s32 $0x4970  }
.LBB2_4:
0xa7: {  	s19 =	sshll.u32 s10, $0x2  }
0xa8: {  	p0 =	sge.s32 s19, s7  }
0xa9: {  	s20 =	sshll.u32 @!p0 s10, $0x9  }
0xaa: {  	s20 =	sshra.s32 @!p0 s20, $0x2  }
0xab: {  	s21 =	simm.s32 @!p0 $0x20;
	s22 =	simm.s32 @!p0 $0x900;
	s20 =	sadd.s32 @!p0 $0x480, s20  }
0xac: {  	[tilespmem:s22], [sflag:$0x1] =	stream.indirect.gather @!p0 [hbm4b:s3+s21], $0x80, s20, s21, $0x2000b8;
	[tilespmem:$0x5490] =	vst v63  }
0xad: {  	s20 =	sor.u32 $0x1, s19  }
0xae: {  	p1 =	sge.s32 s20, s7  }
0xaf: {  	s20 =	sshll.u32 @!p1 s20, $0x7  }
0xb0: {  	s20 =	sshra.s32 @!p1 s20, $0x2  }
0xb1: {  	s21 =	simm.s32 @!p1 $0x20;
	s22 =	simm.s32 @!p1 $0x1900;
	s20 =	sadd.s32 @!p1 $0x480, s20  }
0xb2: {  	[tilespmem:s22], [sflag:$0x1] =	stream.indirect.gather @!p1 [hbm4b:s3+s21], $0x80, s20, s21, $0x2000b8;
	[tilespmem:$0x5490] =	vst v63  }
0xb3: {  	s20 =	sor.u32 $0x2, s19  }
0xb4: {  	s19 =	sor.u32 $0x3, s19;
	p2 =	sge.s32 s20, s7  }
0xb5: {  	p3 =	sge.s32 s19, s7;
	s20 =	sshll.u32 @!p2 s20, $0x7  }
0xb6: {  	s21 =	simm.s32 @!p2 $0x20;
	s19 =	sshll.u32 @!p3 s19, $0x7;
	s20 =	sshra.s32 @!p2 s20, $0x2  }
0xb7: {  	s22 =	simm.s32 @!p2 $0x2900;
	s19 =	sshra.s32 @!p3 s19, $0x2;
	s20 =	sadd.s32 @!p2 $0x480, s20  }
0xb8: {  	[tilespmem:s22], [sflag:$0x1] =	stream.indirect.gather @!p2 [hbm4b:s3+s21], $0x80, s20, s21, $0x2000b8;
	[tilespmem:$0x5490] =	vst v63  }
0xb9: {  	s19 =	sadd.s32 @!p3 $0x480, s19;
	s20 =	simm.s32 @!p3 $0x20;
	s21 =	simm.s32 @!p3 $0x3900  }
0xba: {  	[tilespmem:s21], [sflag:$0x1] =	stream.indirect.gather @!p3 [hbm4b:s3+s20], $0x80, s19, s20, $0x2000b8;
	[tilespmem:$0x5490] =	vst v63  }
0xbb: {  	s19 =	simm.s32 @!p0 $0x1  }
0xbc: {  	_ =	swait.ge @!p0 [sflag:s19], $0x1000  }
0xbd: {  	[sflag:s19] =	ssyncset.done @!p0 $0x0  }
0xbe: {  	[sflag:s19] =	ssyncadd.s32 @!p0 $0xFFFFF000;
	s19 =	simm.s32 @!p1 $0x1  }
0xbf: {  	_ =	swait.ge @!p1 [sflag:s19], $0x1000  }
0xc0: {  	[sflag:s19] =	ssyncset.done @!p1 $0x0  }
0xc1: {  	[sflag:s19] =	ssyncadd.s32 @!p1 $0xFFFFF000;
	s19 =	simm.s32 @!p2 $0x1  }
0xc2: {  	_ =	swait.ge @!p2 [sflag:s19], $0x1000  }
0xc3: {  	[sflag:s19] =	ssyncset.done @!p2 $0x0  }
0xc4: {  	[sflag:s19] =	ssyncadd.s32 @!p2 $0xFFFFF000;
	s19 =	simm.s32 @!p3 $0x1  }
0xc5: {  	_ =	swait.ge @!p3 [sflag:s19], $0x1000  }
0xc6: {  	[sflag:s19] =	ssyncset.done @!p3 $0x0  }
0xc7: {  	[sflag:s19] =	ssyncadd.s32 @!p3 $0xFFFFF000;
	s19 =	simm.s32 $0xB00  }
0xc8: {  	v1 =	vld [tilespmem:s19+$0x180]  }
0xc9: {  	v2 =	vld [tilespmem:s19+$0x190]  }
0xca: {  	v3 =	vld [tilespmem:s19+$0x1A0]  }
0xcb: {  	v4 =	vld [tilespmem:s19+$0x1B0]  }
0xcc: {  	v6 =	vld [tilespmem:s19+$0x1C0]  }
0xcd: {  	v7 =	vld [tilespmem:s19+$0x1D0]  }
0xce: {  	v8 =	vld [tilespmem:s19+$0x100]  }
0xcf: {  	v10 =	vld [tilespmem:s19+$0x110]  }
0xd0: {  	v14 =	vld [tilespmem:s19+$0x120]  }
0xd1: {  	v15 =	vld [tilespmem:s19+$0x130]  }
0xd2: {  	v16 =	vld [tilespmem:s19+$0x140]  }
0xd3: {  	v21 =	vld [tilespmem:s19+$0x150]  }
0xd4: {  	v22 =	vld [tilespmem:s19+$0x80]  }
0xd5: {  	v23 =	vld [tilespmem:s19+$0x90]  }
0xd6: {  	v24 =	vld [tilespmem:s19+$0xA0]  }
0xd7: {  	v25 =	vld [tilespmem:s19+$0xB0]  }
0xd8: {  	v26 =	vld [tilespmem:s19+$0xC0]  }
0xd9: {  	v27 =	vld [tilespmem:s19+$0xD0]  }
0xda: {  	v28 =	vld [tilespmem:s19+$0x0]  }
0xdb: {  	v29 =	vld [tilespmem:s19+$0x10]  }
0xdc: {  	v30 =	vld [tilespmem:s19+$0x20]  }
0xdd: {  	v31 =	vld [tilespmem:s19+$0x30]  }
0xde: {  	v32 =	vld [tilespmem:s19+$0x40]  }
0xdf: {  	s31 =	sshll.u32 s10, $0x7;
	v33 =	vld [tilespmem:s19+$0x50]  }
0xe0: {  	s20 =	ssub.s32 s9, s31;
	v34 =	vld [tilespmem:s19+$0xFFFFFF80]  }
0xe1: {  	p0 =	sgt.s32 s20, $0x7;
	v35 =	vld [tilespmem:s19+$0xFFFFFF90]  }
0xe2: {  	s21 =	simm.s32 @!p0 $0x0;
	v36 =	vld [tilespmem:s19+$0xFFFFFF00]  }
0xe3: {  	v5 =	vimm.f32 $0.0e+00;
	s21 =	simm.s32 @p0 $0x1;
	p1 =	sgt.s32 s20, $0x6;
	v37 =	vld [tilespmem:s19+$0xFFFFFF10]  }
0xe4: {  	v38 =	vld [tilespmem:s19+$0xFFFFFE80];
	[smem:$0x7FB] =	sst s21;
	s21 =	simm.s32 @!p1 $0x0;
	v12 =	vpsel !p0, $0x0, v1;
	v13 =	vpsel !p0, $0x0, v2;
	v9 =	vpsel !p0, $0x0, v3  }
0xe5: {  	v39 =	vld [tilespmem:s19+$0xFFFFFE90];
	s21 =	simm.s32 @p1 $0x1;
	v11 =	vpsel !p0, $0x0, v4;
	v2 =	vpsel !p0, $0x0, v6;
	v1 =	vpsel !p0, $0x0, v7  }
0xe6: {  	v18 =	vpsel !p1, $0x0, v8;
	v19 =	vpsel !p1, $0x0, v10;
	v17 =	vpsel !p1, $0x0, v14;
	v14 =	vld [tilespmem:s19+$0xFFFFFE00];
	[smem:$0x7FC] =	sst s21  }
0xe7: {  	p3 =	sgt.s32 s20, $0x5;
	v20 =	vpsel !p1, $0x0, v15;
	v4 =	vpsel !p1, $0x0, v16;
	v3 =	vpsel !p1, $0x0, v21;
	v15 =	vld [tilespmem:s19+$0xFFFFFE10]  }
0xe8: {  	v16 =	vpsel !p3, $0x0, v22;
	v40 =	vpsel !p3, $0x0, v23;
	v41 =	vpsel !p3, $0x0, v24;
	v21 =	vld [tilespmem:s19+$0xFFFFFE20]  }
0xe9: {  	p4 =	sgt.s32 s20, $0x4;
	v42 =	vpsel !p3, $0x0, v25;
	v7 =	vpsel !p3, $0x0, v26;
	v6 =	vpsel !p3, $0x0, v27;
	v22 =	vld [tilespmem:s19+$0xFFFFFE30]  }
0xea: {  	v23 =	vpsel !p4, $0x0, v28;
	v24 =	vpsel !p4, $0x0, v29;
	v28 =	vpsel !p4, $0x0, v30;
	v25 =	vld [tilespmem:s19+$0xFFFFFEA0]  }
0xeb: {  	p6 =	sgt.s32 s20, $0x3;
	p5 =	sgt.s32 s20, $0x1;
	v29 =	vpsel !p4, $0x0, v31;
	v10 =	vpsel !p4, $0x0, v32;
	v8 =	vpsel !p4, $0x0, v33;
	v26 =	vld [tilespmem:s19+$0xFFFFFEB0]  }
0xec: {  	p0 =	sgt.s32 s20, $0x2;
	v30 =	vpsel !p6, $0x0, v34;
	v31 =	vpsel !p6, $0x0, v35;
	v52 =	vpsel !p5, $0x0, v38;
	v55 =	vld [tilespmem:s19+$0xFFFFFF20]  }
0xed: {  	p1 =	sgt.s32 s20, $0x0;
	v27 =	vpsel !p0, $0x0, v36;
	v53 =	vpsel !p5, $0x0, v39;
	v54 =	vpsel !p0, $0x0, v37;
	v56 =	vld [tilespmem:s19+$0xFFFFFF30]  }
0xee: {  	v57 =	vld [tilespmem:s19+$0xFFFFFFA0];
	v14 =	vpsel !p1, $0x0, v14;
	v15 =	vpsel !p1, $0x0, v15;
	v21 =	vpsel !p1, $0x0, v21  }
0xef: {  	v58 =	vld [tilespmem:s19+$0xFFFFFFB0];
	v14 =	vadd.f32 v14, v5;
	v22 =	vpsel !p1, $0x0, v22;
	v15 =	vadd.f32 v15, v5  }
0xf0: {  	v59 =	vld [tilespmem:s19+$0xFFFFFFC0];
	v25 =	vpsel !p5, $0x0, v25;
	v21 =	vadd.f32 v21, v5;
	v22 =	vadd.f32 v22, v5  }
0xf1: {  	v60 =	vld [tilespmem:s19+$0xFFFFFF40];
	v26 =	vpsel !p5, $0x0, v26;
	v14 =	vadd.f32 v52, v14;
	v15 =	vadd.f32 v53, v15  }
0xf2: {  	v61 =	vld [tilespmem:s19+$0xFFFFFF50];
	v21 =	vadd.f32 v25, v21;
	v22 =	vadd.f32 v26, v22;
	v25 =	vpsel !p0, $0x0, v55  }
0xf3: {  	v26 =	vld [tilespmem:s19+$0xFFFFFFD0];
	v14 =	vadd.f32 v27, v14;
	v27 =	vpsel !p0, $0x0, v56;
	v15 =	vadd.f32 v54, v15  }
0xf4: {  	v62 =	vld [tilespmem:s19+$0xFFFFFEC0];
	v21 =	vadd.f32 v25, v21;
	v22 =	vadd.f32 v27, v22;
	v25 =	vpsel !p6, $0x0, v57  }
0xf5: {  	v27 =	vpsel !p6, $0x0, v58;
	v14 =	vadd.f32 v30, v14;
	v15 =	vadd.f32 v31, v15  }
0xf6: {  	v30 =	vadd.f32 v25, v21;
	v31 =	vadd.f32 v27, v22;
	v25 =	vpsel !p6, $0x0, v59  }
0xf7: {  	v21 =	vld [tilespmem:s19+$0xFFFFFED0];
	v27 =	vpsel !p0, $0x0, v60;
	v14 =	vadd.f32 v23, v14;
	v15 =	vadd.f32 v24, v15  }
0xf8: {  	v22 =	vld [tilespmem:s19+$0xFFFFFE40];
	v26 =	vpsel !p6, $0x0, v26;
	v30 =	vadd.f32 v28, v30;
	v63 =	vadd.f32 v29, v31  }
0xf9: {  	v23 =	vld [tilespmem:s19+$0xFFFFFE50];
	v28 =	vpsel !p0, $0x0, v61;
	v29 =	vpsel !p5, $0x0, v62;
	v31 =	vadd.f32 v16, v14  }
0xfa: {  	v24 =	vld [tilespmem:s19+$0xFFFFFE60];
	v16 =	vimm.f32 $0.0e+00;
	v14 =	vimm.f32 $0.0e+00;
	v32 =	vadd.f32 v40, v15  }
0xfb: {  	s21 =	simm.s32 $0x8;
	v33 =	vadd.f32 v41, v30;
	v34 =	vadd.f32 v42, v63;
	v30 =	vld [tilespmem:s19+$0xFFFFFE70];
	v15 =	vimm.f32 $0.0e+00  }
.LBB2_5:
0xfc: {  	v18 =	vadd.f32 v18, v31  }
0xfd: {  	v36 =	vld [tilespmem:s19+$0xFFFFFEE0];
	v19 =	vadd.f32 v19, v32;
	v17 =	vadd.f32 v17, v33  }
0xfe: {  	v51 =	vld [tilespmem:s19+$0xFFFFFEF0];
	v20 =	vadd.f32 v20, v34;
	v35 =	vpsel !p5, $0x0, v21;
	v31 =	vpsel !p1, $0x0, v22  }
0xff: {  	v53 =	vld [tilespmem:s19+$0xFFFFFF60];
	v52 =	vpsel !p1, $0x0, v23;
	v21 =	vadd.f32 v12, v18;
	v22 =	vadd.f32 v13, v19  }
0x100: {  	v12 =	vpsel !p1, $0x0, v24;
	v13 =	vld [tilespmem:s19+$0xFFFFFF70];
	v23 =	vadd.f32 v9, v17;
	v24 =	vadd.f32 v11, v20  }
0x101: {  	v11 =	vpsel !p1, $0x0, v30;
	v5 =	vadd.f32 v31, v5;
	v9 =	vadd.f32 v52, v16;
	v16 =	vld [tilespmem:s19+$0xFFFFFFE0]  }
0x102: {  	v12 =	vadd.f32 v12, v15;
	v11 =	vadd.f32 v11, v14;
	v14 =	vpsel !p5, $0x0, v36;
	v15 =	vld [tilespmem:s19+$0xFFFFFFF0]  }
0x103: {  	v18 =	vld [tilespmem:s19+$0x60];
	v17 =	vpsel !p5, $0x0, v51;
	v5 =	vadd.f32 v29, v5;
	v9 =	vadd.f32 v35, v9  }
0x104: {  	v19 =	vld [tilespmem:s19+$0xE0];
	v12 =	vadd.f32 v14, v12;
	v11 =	vadd.f32 v17, v11;
	v14 =	vpsel !p0, $0x0, v53  }
0x105: {  	v17 =	vld [tilespmem:s19+$0x70];
	v5 =	vadd.f32 v27, v5;
	v9 =	vadd.f32 v28, v9;
	v13 =	vpsel !p0, $0x0, v13  }
0x106: {  	v12 =	vadd.f32 v14, v12;
	v14 =	vld [tilespmem:s19+$0xF0];
	v11 =	vadd.f32 v13, v11  }
0x107: {  	v13 =	vpsel !p6, $0x0, v16;
	v15 =	vpsel !p6, $0x0, v15;
	v16 =	vld [tilespmem:s19+$0x160];
	v5 =	vadd.f32 v25, v5  }
0x108: {  	v12 =	vadd.f32 v13, v12;
	v11 =	vadd.f32 v15, v11;
	v15 =	vld [tilespmem:s19+$0x170]  }
0x109: {  	v9 =	vadd.f32 v26, v9;
	v13 =	vpsel !p4, $0x0, v18;
	v5 =	vadd.f32 v10, v5;
	v10 =	vld [tilespmem:s19+$0x1E0]  }
0x10a: {  	v12 =	vadd.f32 v13, v12;
	v13 =	vld [tilespmem:s19+$0x1F0];
	s19 =	sadd.s32 $0x400, s19  }
0x10b: {  	v8 =	vadd.f32 v8, v9;
	v9 =	vpsel !p4, $0x0, v17;
	v17 =	vld [tilespmem:s19+$0x180]  }
0x10c: {  	v18 =	vld [tilespmem:s19+$0x1A0]  }
0x10d: {  	v9 =	vadd.f32 v9, v11;
	v11 =	vpsel !p3, $0x0, v19;
	v19 =	vld [tilespmem:s19+$0x1C0]  }
0x10e: {  	v20 =	vld [tilespmem:s19+$0x130]  }
0x10f: {  	v25 =	vld [tilespmem:s19+$0x140]  }
0x110: {  	v26 =	vld [tilespmem:s19+$0x150]  }
0x111: {  	v27 =	vld [tilespmem:s19+$0x80]  }
0x112: {  	v28 =	vld [tilespmem:s19+$0x90]  }
0x113: {  	v29 =	vld [tilespmem:s19+$0xA0]  }
0x114: {  	v30 =	vld [tilespmem:s19+$0xB0]  }
0x115: {  	v31 =	vld [tilespmem:s19+$0xC0]  }
0x116: {  	v54 =	vld [tilespmem:s19+$0xD0]  }
0x117: {  	v55 =	vld [tilespmem:s19+$0x0]  }
0x118: {  	v56 =	vld [tilespmem:s19+$0x10]  }
0x119: {  	v57 =	vld [tilespmem:s19+$0x20]  }
0x11a: {  	v58 =	vld [tilespmem:s19+$0x30]  }
0x11b: {  	v37 =	vld [tilespmem:s19+$0x40]  }
0x11c: {  	v38 =	vld [tilespmem:s19+$0x50]  }
0x11d: {  	s23 =	sld [smem:$0x7FC];
	v39 =	vld [tilespmem:s19+$0xFFFFFF80]  }
0x11e: {  	v40 =	vld [tilespmem:s19+$0xFFFFFF90]  }
0x11f: {  	v41 =	vld [tilespmem:s19+$0xFFFFFF00]  }
0x120: {  	s24 =	sld [smem:$0x7FB];
	p5 =	seq.s32 s23, $0x1;
	v42 =	vld [tilespmem:s19+$0xFFFFFF10];
	v5 =	vadd.f32 v7, v5;
	v6 =	vadd.f32 v6, v8;
	v7 =	vpsel !p3, $0x0, v14  }
0x121: {  	v43 =	vld [tilespmem:s19+$0xFFFFFE80];
	v11 =	vadd.f32 v11, v12;
	v7 =	vadd.f32 v7, v9;
	v9 =	vpsel !p5, $0x0, v16  }
0x122: {  	v44 =	vld [tilespmem:s19+$0xFFFFFE90];
	v4 =	vadd.f32 v4, v5;
	v3 =	vadd.f32 v3, v6;
	v5 =	vpsel !p5, $0x0, v15  }
0x123: {  	s25 =	sadd.s32 $0x7, s21;
	p6 =	seq.s32 s24, $0x1;
	v45 =	vld [tilespmem:s19+$0xFFFFFE00];
	v9 =	vadd.f32 v9, v11;
	v7 =	vadd.f32 v5, v7  }
0x124: {  	s26 =	sadd.s32 $0x6, s21;
	p0 =	slt.s32 s25, s20;
	v8 =	vld [tilespmem:s19+$0x190];
	v10 =	vpsel !p6, $0x0, v10;
	v5 =	vadd.f32 v2, v4;
	v16 =	vadd.f32 v1, v3  }
0x125: {  	s28 =	sadd.s32 $0x5, s21;
	p1 =	slt.s32 s26, s20;
	v1 =	vpsel !p6, $0x0, v13;
	v15 =	vadd.f32 v10, v9;
	v4 =	vld [tilespmem:s19+$0x100];
	v12 =	vpsel !p0, $0x0, v17  }
0x126: {  	s29 =	sadd.s32 $0x4, s21;
	p3 =	slt.s32 s28, s20;
	v3 =	vld [tilespmem:s19+$0x1D0];
	v9 =	vpsel !p0, $0x0, v18;
	v2 =	vpsel !p0, $0x0, v19;
	v20 =	vpsel !p1, $0x0, v20  }
0x127: {  	p2 =	slt.u32 s21, $0x78;
	p4 =	slt.s32 s29, s20;
	v10 =	vld [tilespmem:s19+$0x120];
	v46 =	vpsel !p3, $0x0, v27;
	v47 =	vpsel !p3, $0x0, v28;
	v48 =	vpsel !p3, $0x0, v29  }
0x128: {  	s22 =	simm.s32 @!p2 $0x0;
	s24 =	sadd.s32 $0x1, s21;
	v49 =	vpsel !p3, $0x0, v30;
	v28 =	vpsel !p4, $0x0, v55;
	v14 =	vadd.f32 v1, v7;
	v7 =	vld [tilespmem:s19+$0x110]  }
0x129: {  	s22 =	simm.s32 @p2 $0x1;
	v6 =	vld [tilespmem:s19+$0x1B0];
	p5 =	slt.s32 s24, s20;
	v29 =	vpsel !p4, $0x0, v56;
	v30 =	vpsel !p4, $0x0, v57;
	v32 =	vpsel !p4, $0x0, v58  }
0x12a: {  	[smem:$0x7FA] =	sst s22;
	s23 =	sadd.s32 $0x3, s21;
	s22 =	simm.s32 @!p0 $0x0;
	v63 =	vpsel !p5, $0x0, v43;
	v18 =	vpsel !p1, $0x0, v4;
	v4 =	vpsel !p1, $0x0, v25;
	v25 =	vld [tilespmem:s19+$0xFFFFFE10]  }
0x12b: {  	s22 =	simm.s32 @p0 $0x1;
	p6 =	slt.s32 s23, s20;
	v50 =	vpsel !p5, $0x0, v44;
	v1 =	vpsel !p0, $0x0, v3;
	v3 =	vpsel !p1, $0x0, v26;
	v26 =	vld [tilespmem:s19+$0xFFFFFE20]  }
0x12c: {  	[smem:$0x7FB] =	sst s22;
	s22 =	simm.s32 @!p1 $0x0;
	v27 =	vld [tilespmem:s19+$0xFFFFFE30];
	v13 =	vpsel !p0, $0x0, v8;
	v8 =	vpsel !p4, $0x0, v38;
	v61 =	vpsel !p6, $0x0, v39  }
0x12d: {  	s22 =	simm.s32 @p1 $0x1;
	v59 =	vld [tilespmem:s19+$0xFFFFFEB0];
	v62 =	vpsel !p6, $0x0, v40;
	v17 =	vpsel !p1, $0x0, v10;
	v19 =	vpsel !p1, $0x0, v7;
	p1 =	slt.s32 s21, s20  }
0x12e: {  	s30 =	sadd.s32 $0x2, s21;
	v11 =	vpsel !p0, $0x0, v6;
	v7 =	vpsel !p3, $0x0, v31;
	v31 =	vld [tilespmem:s19+$0xFFFFFEA0];
	v53 =	vpsel !p1, $0x0, v45  }
0x12f: {  	v6 =	vpsel !p3, $0x0, v54;
	v54 =	vld [tilespmem:s19+$0xFFFFFF30];
	p0 =	slt.s32 s30, s20;
	v10 =	vpsel !p4, $0x0, v37;
	v21 =	vadd.f32 v53, v21  }
0x130: {  	v52 =	vld [tilespmem:s19+$0xFFFFFF20];
	v60 =	vpsel !p0, $0x0, v41;
	v25 =	vpsel !p1, $0x0, v25;
	v26 =	vpsel !p1, $0x0, v26  }
0x131: {  	v21 =	vadd.f32 v63, v21;
	v22 =	vadd.f32 v25, v22;
	v25 =	vpsel !p1, $0x0, v27;
	v27 =	vld [tilespmem:s19+$0xFFFFFFA0]  }
0x132: {  	v51 =	vpsel !p0, $0x0, v42;
	v23 =	vadd.f32 v26, v23;
	v26 =	vld [tilespmem:s19+$0xFFFFFFB0];
	v24 =	vadd.f32 v25, v24  }
0x133: {  	v55 =	vld [tilespmem:s19+$0xFFFFFFC0];
	v25 =	vpsel !p5, $0x0, v31;
	v31 =	vpsel !p5, $0x0, v59;
	v22 =	vadd.f32 v50, v22  }
0x134: {  	s31 =	sld [smem:$0x7FA];
	v56 =	vpsel !p0, $0x0, v54;
	v23 =	vadd.f32 v25, v23;
	v24 =	vadd.f32 v31, v24;
	v31 =	vld [tilespmem:s19+$0xFFFFFFD0]  }
0x135: {  	v57 =	vld [tilespmem:s19+$0xFFFFFF40];
	v21 =	vadd.f32 v60, v21;
	v25 =	vpsel !p0, $0x0, v52;
	v22 =	vadd.f32 v51, v22  }
0x136: {  	v58 =	vld [tilespmem:s19+$0xFFFFFF50];
	v23 =	vadd.f32 v25, v23;
	v24 =	vadd.f32 v56, v24;
	v25 =	vpsel !p6, $0x0, v27  }
0x137: {  	p2 =	seq.s32 s31, $0x1;
	v59 =	vld [tilespmem:s19+$0xFFFFFEC0];
	v27 =	vadd.f32 v61, v21;
	v60 =	vadd.f32 v62, v22;
	v22 =	vpsel !p6, $0x0, v26  }
.Ltmp2:
0x138: {  	v21 =	vld [tilespmem:s19+$0xFFFFFED0];
	v61 =	vadd.f32 v25, v23;
	v25 =	vpsel !p6, $0x0, v55;
	v24 =	vadd.f32 v22, v24;
	(pc) =	sbr.rel @p2 .LBB2_5-.Ltmp2, $4  }
0x139: {  	v23 =	vld [tilespmem:s19+$0xFFFFFE50];
	v26 =	vpsel !p6, $0x0, v31;
	v31 =	vadd.f32 v28, v27;
	v29 =	vadd.f32 v29, v60  }
0x13a: {  	v22 =	vld [tilespmem:s19+$0xFFFFFE40];
	v27 =	vpsel !p0, $0x0, v57;
	v62 =	vadd.f32 v30, v61;
	v63 =	vadd.f32 v32, v24  }
0x13b: {  	v28 =	vpsel !p0, $0x0, v58;
	v30 =	vld [tilespmem:s19+$0xFFFFFE70];
	v31 =	vadd.f32 v46, v31;
	v32 =	vadd.f32 v47, v29  }
0x13c: {  	[smem:$0x7FC] =	sst s22;
	s21 =	sadd.s32 $0x8, s21;
	v24 =	vld [tilespmem:s19+$0xFFFFFE60];
	v29 =	vpsel !p5, $0x0, v59;
	v33 =	vadd.f32 v48, v62;
	v34 =	vadd.f32 v49, v63  }
0x13d: {  	v18 =	vadd.f32 v18, v31;
	v19 =	vadd.f32 v19, v32  }
0x13e: {  	v62 =	vld [tilespmem:s19+$0xFFFFFEE0];
	v17 =	vadd.f32 v17, v33;
	v20 =	vadd.f32 v20, v34;
	v23 =	vpsel !p1, $0x0, v23  }
0x13f: {  	v63 =	vld [tilespmem:s19+$0xFFFFFEF0];
	v22 =	vpsel !p1, $0x0, v22;
	v12 =	vadd.f32 v12, v18;
	v13 =	vadd.f32 v13, v19  }
0x140: {  	v37 =	vpsel !p5, $0x0, v21;
	v33 =	vld [tilespmem:s19+$0xFFFFFF60];
	v16 =	vadd.f32 v23, v16;
	v5 =	vadd.f32 v22, v5  }
0x141: {  	v36 =	vld [tilespmem:s19+$0xFFFFFF70];
	v9 =	vadd.f32 v9, v17;
	v11 =	vadd.f32 v11, v20;
	v34 =	vpsel !p1, $0x0, v24  }
0x142: {  	v38 =	vld [tilespmem:s19+$0xFFFFFFE0];
	v35 =	vpsel !p1, $0x0, v30;
	v15 =	vadd.f32 v34, v15;
	v5 =	vadd.f32 v29, v5  }
0x143: {  	v40 =	vld [tilespmem:s19+$0xFFFFFFF0];
	v14 =	vadd.f32 v35, v14;
	v16 =	vadd.f32 v37, v16;
	v39 =	vpsel !p5, $0x0, v62  }
0x144: {  	v42 =	vld [tilespmem:s19+$0x60];
	v41 =	vpsel !p5, $0x0, v63;
	v15 =	vadd.f32 v39, v15;
	v5 =	vadd.f32 v27, v5  }
0x145: {  	v44 =	vld [tilespmem:s19+$0x70];
	v14 =	vadd.f32 v41, v14;
	v43 =	vpsel !p0, $0x0, v33;
	v16 =	vadd.f32 v28, v16  }
0x146: {  	v46 =	vld [tilespmem:s19+$0xE0];
	v45 =	vpsel !p0, $0x0, v36;
	v15 =	vadd.f32 v43, v15;
	v5 =	vadd.f32 v25, v5  }
0x147: {  	v48 =	vld [tilespmem:s19+$0xF0];
	v47 =	vpsel !p6, $0x0, v38;
	v14 =	vadd.f32 v45, v14;
	v16 =	vadd.f32 v26, v16  }
0x148: {  	v49 =	vld [tilespmem:s19+$0x160];
	v19 =	vpsel !p6, $0x0, v40;
	v15 =	vadd.f32 v47, v15;
	v5 =	vadd.f32 v10, v5  }
0x149: {  	v52 =	vld [tilespmem:s19+$0x170];
	s30 =	sld [smem:$0x7FC];
	v51 =	vpsel !p4, $0x0, v42;
	v50 =	vadd.f32 v19, v14;
	v8 =	vadd.f32 v8, v16  }
0x14a: {  	v54 =	vld [tilespmem:s19+$0x1E0];
	v53 =	vpsel !p4, $0x0, v44;
	v14 =	vadd.f32 v51, v15;
	v5 =	vadd.f32 v7, v5  }
0x14b: {  	v57 =	vld [tilespmem:s19+$0x1F0];
	s31 =	sld [smem:$0x7FB];
	v56 =	vpsel !p3, $0x0, v46;
	v55 =	vadd.f32 v53, v50;
	v6 =	vadd.f32 v6, v8  }
0x14c: {  	[tilespmem:s11+$0x0] =	vst.add.f32.msk $0xffff, v12;
	v58 =	vpsel !p3, $0x0, v48;
	p5 =	seq.s32 s30, $0x1;
	v10 =	vadd.f32 v56, v14;
	v4 =	vadd.f32 v4, v5  }
0x14d: {  	s10 =	sadd.s32 $0x1, s10;
	[tilespmem:s12+$0x0] =	vst.add.f32.msk $0xffff, v13;
	v60 =	vpsel !p5, $0x0, v49;
	v59 =	vadd.f32 v58, v55;
	v3 =	vadd.f32 v3, v6  }
0x14e: {  	p6 =	seq.s32 s31, $0x1;
	v61 =	vpsel !p5, $0x0, v52;
	[tilespmem:s13+$0x0] =	vst.add.f32.msk $0xffff, v9;
	p0 =	sne.s32 s10, s8;
	v7 =	vadd.f32 v60, v10;
	v2 =	vadd.f32 v2, v4  }
.Ltmp3:
0x14f: {  	v63 =	vpsel !p6, $0x0, v54;
	[tilespmem:s14+$0x0] =	vst.add.f32.msk $0xffff, v11;
	v62 =	vadd.f32 v61, v59;
	v1 =	vadd.f32 v1, v3;
	(pc) =	sbr.rel @p0 .LBB2_4-.Ltmp3, $4  }
0x150: {  	v3 =	vpsel !p6, $0x0, v57;
	v5 =	vadd.f32 v63, v7;
	[tilespmem:s15+$0x0] =	vst.add.f32.msk $0xffff, v2  }
0x151: {  	v2 =	vadd.f32 v3, v62;
	[tilespmem:s16+$0x0] =	vst.add.f32.msk $0xffff, v1  }
0x152: {  	[tilespmem:s17+$0x0] =	vst.add.f32.msk $0xffff, v5  }
0x153: {  	[tilespmem:s18+$0x0] =	vst.add.f32.msk $0xffff, v2  }
.LBB2_7:
0x154: {  	v0 =	vcvt.s32.f32 v0  }
0x155: {  	_ =	strace $0x90000049  }
0x156: {  	s3 =	simm.s32 $0x4900;
	_ =	strace $0x8000004A;
	[tilespmem:$0x4980] =	vst v0  }
0x157: {  	[spmem:s6] =	stream.linear.scatter [tilespmem:s3], [sflag:$0x3], $0x90, $0x200038;
	[tilespmem:$0x5490] =	vst v63  }
0x158: {  	s3 =	simm.s32 $0x3  }
0x159: {  	_ =	swait.ge [sflag:s3], $0x90  }
0x15a: {  	[sflag:s3] =	ssyncset.done $0x0  }
0x15b: {  	[sflag:s3] =	ssyncadd.s32 $0xFFFFFF70  }
0x15c: {  	[bflag:$0x0] =	sbarrier.arrive $0xFFFF  }
0x15d: {  	_ =	strace $0x9000004A  }
0x15e: {  	s31 =	sld [smem:$0x7FD];
	_ =	sdelay $0x2  }
0x15f: {  	p0 =	seq.s32 s31, $0x1  }
.Ltmp4:
0x160: {  	_ = 	snop;
	(pc) =	sbr.rel @p0 .LBB2_9-.Ltmp4, $1  }
0x161: {  	_ =	sdelay $0x3  }
0x162: {  	s6 =	simm.s32 $0x4B00;
	s28 =	simm.s32 $0x2  }
0x163: {  	[tilespmem:s6], [sflag:$0x1] =	stream.linear.gather [spmem:s2], $0x900, $0x38;
	[tilespmem:$0x5490] =	vst v63  }
0x164: {  	_ =	swait.ge [sflag:s28], $0x10  }
0x165: {  	[sflag:s28] =	ssyncset.done $0x0  }
0x166: {  	s29 =	simm.s32 $0x1;
	[sflag:s28] =	ssyncadd.s32 $0xFFFFFFF0  }
0x167: {  	_ =	swait.ge [sflag:s29], $0x900  }
0x168: {  	[sflag:s29] =	ssyncset.done $0x0  }
0x169: {  	[sflag:s29] =	ssyncadd.s32 $0xFFFFF700  }
0x16a: {  	v0 =	vld [tilespmem:$0x4B80]  }
0x16b: {  	v1 =	vld [tilespmem:$0x4C10];
	_ =	sdelay $0x1  }
0x16c: {  	v2 =	vld [tilespmem:$0x4CA0];
	_ =	sdelay $0x1  }
0x16d: {  	v3 =	vld [tilespmem:$0x4D30]  }
0x16e: {  	v0 =	vadd.f32 v1, v0  }
0x16f: {  	v38 =	vld [tilespmem:$0x4DC0]  }
0x170: {  	v4 =	vld [tilespmem:s5+$0x4B00];
	v0 =	vadd.f32 v2, v0  }
0x171: {  	v39 =	vld [tilespmem:$0x4E50]  }
0x172: {  	v5 =	vld [tilespmem:s5+$0x4B90];
	v0 =	vadd.f32 v3, v0  }
0x173: {  	v40 =	vld [tilespmem:$0x4EE0]  }
0x174: {  	v6 =	vld [tilespmem:s5+$0x4C20];
	v0 =	vadd.f32 v38, v0  }
0x175: {  	v41 =	vld [tilespmem:$0x4F70]  }
0x176: {  	v7 =	vld [tilespmem:s5+$0x4CB0];
	v0 =	vadd.f32 v39, v0  }
0x177: {  	v42 =	vld [tilespmem:$0x5000]  }
0x178: {  	v43 =	vld [tilespmem:s5+$0x4D40];
	v4 =	vadd.f32 v5, v4;
	v0 =	vadd.f32 v40, v0  }
0x179: {  	v44 =	vld [tilespmem:$0x5090]  }
0x17a: {  	v45 =	vld [tilespmem:s5+$0x4DD0];
	v4 =	vadd.f32 v6, v4;
	v0 =	vadd.f32 v41, v0  }
0x17b: {  	v46 =	vld [tilespmem:$0x5120]  }
0x17c: {  	v47 =	vld [tilespmem:s5+$0x4E60];
	v4 =	vadd.f32 v7, v4;
	v0 =	vadd.f32 v42, v0  }
0x17d: {  	v48 =	vld [tilespmem:$0x51B0]  }
0x17e: {  	v49 =	vld [tilespmem:s5+$0x4EF0];
	v4 =	vadd.f32 v43, v4;
	v0 =	vadd.f32 v44, v0  }
0x17f: {  	v50 =	vld [tilespmem:$0x5240]  }
0x180: {  	v51 =	vld [tilespmem:s5+$0x4F80];
	v4 =	vadd.f32 v45, v4;
	v0 =	vadd.f32 v46, v0  }
0x181: {  	v52 =	vld [tilespmem:$0x52D0]  }
0x182: {  	v53 =	vld [tilespmem:s5+$0x5010];
	v4 =	vadd.f32 v47, v4;
	v0 =	vadd.f32 v48, v0  }
0x183: {  	v54 =	vld [tilespmem:$0x5360]  }
0x184: {  	v55 =	vld [tilespmem:s5+$0x50A0];
	v4 =	vadd.f32 v49, v4;
	v0 =	vadd.f32 v50, v0  }
0x185: {  	v56 =	vld [tilespmem:$0x53F0]  }
0x186: {  	v4 =	vadd.f32 v51, v4;
	v0 =	vadd.f32 v52, v0  }
0x187: {  	v57 =	vld [tilespmem:s5+$0x5130]  }
0x188: {  	v4 =	vadd.f32 v53, v4;
	v0 =	vadd.f32 v54, v0  }
0x189: {  	v58 =	vld [tilespmem:s5+$0x51C0]  }
0x18a: {  	v4 =	vadd.f32 v55, v4;
	v0 =	vadd.f32 v56, v0  }
0x18b: {  	v59 =	vld [tilespmem:s5+$0x5250]  }
0x18c: {  	v1 =	vadd.f32 v57, v4;
	v0 =	vadd.f32 $1.000000000e+00, v0  }
0x18d: {  	v60 =	vld [tilespmem:s5+$0x52E0]  }
0x18e: {  	v1 =	vadd.f32 v58, v1;
	(erf) = vrcp.f32 v0  }
0x18f: {  	v61 =	vld [tilespmem:s5+$0x5370]  }
0x190: {  	v1 =	vadd.f32 v59, v1  }
0x191: {  	v62 =	vld [tilespmem:$0x4A00]  }
0x192: {  	v1 =	vadd.f32 v60, v1;
	_ =	sdelay $0x1  }
0x193: {  	v0 =	vadd.f32 v61, v1;
	_ =	sdelay $0x1  }
0x194: {  	v0 =	vadd.f32 v62, v0  }
0x195: {  	v63 =	vpop (erf)  }
0x196: {  	v0 =	vmul.f32 v63, v0;
	_ =	sdelay $0x1  }
0x197: {  	s30 =	simm.s32 $0x0;
	s31 =	simm.s32 $0x4A80;
	[tilespmem:$0x4A80] =	vst v0  }
0x198: {  	[hbm4b:s4+s30] =	stream.linear.scatter [tilespmem:s31], [sflag:$0x3], $0x10, $0x38;
	[tilespmem:$0x5490] =	vst v63  }
0x199: {  	_ =	swait.ge [sflag:s3], $0x10  }
0x19a: {  	[sflag:s3] =	ssyncset.done $0x0  }
0x19b: {  	[sflag:s3] =	ssyncadd.s32 $0xFFFFFFF0  }
.LBB2_9:
0x19c: {  	_ =	sfence.sel $0x180000  }
0x19d: {  	[bflag:$0x0] =	sbarrier.arrive $0xFFFF  }
0x19e: {  	p0 =	sne.s32 s1, $0x0;
	_ =	strace $0x90000047  }
0x19f: {  	s0 =	sadd.s32 @!p0 $0x100000, s0;
	[bflag:$0x2] =	sbarrier.arrive $0xFFFF  }
0x1a0: {  	[sflag:s0] =	ssyncadd.tile.s32 @!p0 $0x1;
	_ =	shalt  }
.Lfunc_end2:
_tile_overlayer_lowered:
.L_overlay_start_2:
0x1a1: {  	(tag) =	ssettag $0x2  }
0x1a2: {  	s0 =	rddreg [dreg:$0x0];
	s2 =	stileid.u32  }
0x1a3: {  	s1 =	rddreg [dreg:$0x1];
	p0 =	sne.s32 s2, $0x0  }
0x1a4: {  	s3 =	rddreg [dreg:$0x2];
	[bflag:$0x3] =	sbarrier.arrive $0xFFFF;
	s2 =	simm.s32 @!p0 $0x1C03  }
0x1a5: {  	[timem:s3], [sflag:s2] =	dma.local @!p0 [hbm:s0], s1  }
0x1a6: {  	s0 =	simm.s32 @!p0 $0x3  }
0x1a7: {  	_ =	swait.ge @!p0 [sflag:s0], s1  }
0x1a8: {  	s1 =	ssub.s32 @!p0 $0x0, s1;
	[sflag:s0] =	ssyncset.done @!p0 $0x0  }
0x1a9: {  	[sflag:s0] =	ssyncadd.s32 @!p0 s1  }
0x1aa: {  	[bflag:$0x3] =	sbarrier.arrive $0xFFFF  }
0x1ab: {  	_ =	shalt  }

</sc_bundles>
